<compile_context>
chip_gen: v7x
topology: tpu7x:2x2x1
jax: 0.10.2.dev20260603
libtpu: 0.0.44.dev20260713+nightly
codegen_flags: <defaults>
</compile_context>

<pallas_src>
import functools

import jax
import jax.numpy as jnp
from jax import lax
from jax.experimental import pallas as pl
from jax.experimental.pallas import tpu as pltpu, tpu_sc as plsc

N = 10000
E = 320000
D = 128
H = 64
C = 4

NC = 2
NS = 16
NW = NC * NS
NP = 10112
RPS = NP // NS

EPW = E // NW
CH = 128
NCH = EPW // CH
CHT = EPW - NCH * CH
DW = 16

_mesh = plsc.VectorSubcoreMesh(core_axis_name="c", subcore_axis_name="s")
_sc_params = pltpu.CompilerParams(use_tc_tiling_on_sc=False)


def _zero_rows(buf, rows, width):
  zeros16 = jnp.zeros((16,), jnp.float32)

  @pl.loop(0, rows)
  def _(i):
    for k in range(width // 16):
      buf[i, pl.ds(k * 16, 16)] = zeros16


def _init_shared(zbuf, shared, row0):
  for t in range(RPS // CH):
    pltpu.sync_copy(zbuf, shared.at[pl.ds(row0 + t * CH, CH)])
  rem = RPS - (RPS // CH) * CH
  pltpu.sync_copy(zbuf.at[pl.ds(0, rem)],
                  shared.at[pl.ds(row0 + (RPS // CH) * CH, rem)])


@functools.partial(
    pl.kernel,
    out_type=jax.ShapeDtypeStruct((NC, NP, DW), jnp.float32),
    mesh=_mesh,
    compiler_params=_sc_params,
    scratch_types=[
        pltpu.VMEM((EPW,), jnp.int32),
        pltpu.VMEM((CH, DW), jnp.float32),
        pltpu.VMEM((CH, DW), jnp.float32),
        pltpu.VMEM_SHARED((NP, DW), jnp.float32),
        pltpu.SemaphoreType.DMA,
        pltpu.SemaphoreType.DMA,
    ],
)
def _deg_kernel(ei_hbm, out_hbm, dst_v, ones_v, zbuf, deg_sh, sem_a, sem_b):
  c = lax.axis_index("c")
  s = lax.axis_index("s")
  wid = s * NC + c
  row0 = pl.multiple_of(s * RPS, 8)
  base = pl.multiple_of(E + wid * EPW, 8)

  ones16 = jnp.ones((16,), jnp.float32)

  pltpu.async_copy(ei_hbm.at[pl.ds(base, EPW)], dst_v, sem_a)

  @pl.loop(0, CH)
  def _(i):
    ones_v[i, pl.ds(0, DW)] = ones16

  _zero_rows(zbuf, CH, DW)
  _init_shared(zbuf, deg_sh, row0)
  pltpu.make_async_copy(ei_hbm.at[pl.ds(base, EPW)], dst_v, sem_a).wait()

  plsc.subcore_barrier()

  def _add(j, sem):
    return pltpu.async_copy(
        ones_v, deg_sh.at[dst_v.at[pl.ds(j * CH, CH)]], sem, add=True)

  def _wait(sem):
    pltpu.make_async_copy(
        ones_v, deg_sh.at[dst_v.at[pl.ds(0, CH)]], sem).wait()

  _add(0, sem_a)
  _add(1, sem_b)

  @pl.loop(0, NCH // 2 - 1)
  def _(g):
    _wait(sem_a)
    _add(g * 2 + 2, sem_a)
    _wait(sem_b)
    _add(g * 2 + 3, sem_b)

  _wait(sem_a)
  _wait(sem_b)
  pltpu.sync_copy(ones_v.at[pl.ds(0, CHT)],
                  deg_sh.at[dst_v.at[pl.ds(NCH * CH, CHT)]], add=True)

  plsc.subcore_barrier()
  pltpu.sync_copy(deg_sh.at[pl.ds(row0, RPS)],
                  out_hbm.at[c, pl.ds(row0, RPS)])


@functools.partial(
    pl.kernel,
    out_type=jax.ShapeDtypeStruct((NC, NP, H), jnp.float32),
    mesh=_mesh,
    compiler_params=_sc_params,
    scratch_types=[
        pltpu.VMEM((EPW,), jnp.int32),
        pltpu.VMEM((EPW,), jnp.int32),
        pltpu.VMEM((CH, H), jnp.float32),
        pltpu.VMEM((CH, H), jnp.float32),
        pltpu.VMEM((CH, H), jnp.float32),
        pltpu.VMEM((CH, H), jnp.float32),
        pltpu.VMEM_SHARED((NP, H), jnp.float32),
        pltpu.SemaphoreType.DMA,
        pltpu.SemaphoreType.DMA,
        pltpu.SemaphoreType.DMA,
    ],
)
def _msg_kernel(y_hbm, ei_hbm, out_hbm, src_v, dst_v, rows_a, rows_b, rows_c,
                zbuf, z_sh, sem_a, sem_b, sem_c):
  c = lax.axis_index("c")
  s = lax.axis_index("s")
  wid = s * NC + c
  row0 = pl.multiple_of(s * RPS, 8)
  base = pl.multiple_of(wid * EPW, 8)

  pltpu.async_copy(ei_hbm.at[pl.ds(base, EPW)], src_v, sem_a)
  pltpu.async_copy(
      ei_hbm.at[pl.ds(pl.multiple_of(E + base, 8), EPW)], dst_v, sem_b)
  _zero_rows(zbuf, CH, H)
  _init_shared(zbuf, z_sh, row0)
  pltpu.make_async_copy(ei_hbm.at[pl.ds(base, EPW)], src_v, sem_a).wait()
  pltpu.make_async_copy(ei_hbm.at[pl.ds(base, EPW)], dst_v, sem_b).wait()
  plsc.subcore_barrier()

  def _gather(j, buf, sem):
    pltpu.async_copy(y_hbm.at[src_v.at[pl.ds(j * CH, CH)]], buf, sem)

  def _gwait(buf, sem):
    pltpu.make_async_copy(
        y_hbm.at[src_v.at[pl.ds(0, CH)]], buf, sem).wait()

  def _scat(j, buf):
    pltpu.sync_copy(buf, z_sh.at[dst_v.at[pl.ds(j * CH, CH)]], add=True)

  def _clamp(j):
    return pl.multiple_of(jnp.minimum(j * CH, (NCH - 1) * CH), 8)

  _gather(0, rows_a, sem_a)
  _gather(1, rows_b, sem_b)

  @pl.loop(0, NCH // 3)
  def _(g):
    j = g * 3
    _gather(j + 2, rows_c, sem_c)
    _gwait(rows_a, sem_a)
    _scat(j, rows_a)
    pltpu.async_copy(y_hbm.at[src_v.at[pl.ds(_clamp(j + 3), CH)]],
                     rows_a, sem_a)
    _gwait(rows_b, sem_b)
    _scat(j + 1, rows_b)
    pltpu.async_copy(y_hbm.at[src_v.at[pl.ds(_clamp(j + 4), CH)]],
                     rows_b, sem_b)
    _gwait(rows_c, sem_c)
    _scat(j + 2, rows_c)

  _gwait(rows_b, sem_b)
  pltpu.make_async_copy(
      y_hbm.at[src_v.at[pl.ds(0, CH)]], rows_a, sem_a).wait()
  pltpu.async_copy(
      y_hbm.at[src_v.at[pl.ds(NCH * CH, CHT)]],
      rows_a.at[pl.ds(0, CHT)], sem_a).wait()
  pltpu.sync_copy(rows_a.at[pl.ds(0, CHT)],
                  z_sh.at[dst_v.at[pl.ds(NCH * CH, CHT)]], add=True)

  plsc.subcore_barrier()
  pltpu.sync_copy(z_sh.at[pl.ds(row0, RPS)],
                  out_hbm.at[c, pl.ds(row0, RPS)])


def _mm_body(x_ref, w_ref, deg_ref, y_ref, dinv_ref):
  deg = deg_ref[0, pl.ds(0, N), 0] + deg_ref[1, pl.ds(0, N), 0] + 1.0
  dinv = lax.rsqrt(deg)
  xw = jnp.dot(x_ref[...], w_ref[...], preferred_element_type=jnp.float32)
  y_ref[...] = xw * dinv[:, None]
  dinv_ref[...] = dinv[:, None]


def _mm_call(x, w, deg_parts):
  return pl.pallas_call(
      _mm_body,
      out_shape=(jax.ShapeDtypeStruct((N, H), jnp.float32),
                 jax.ShapeDtypeStruct((N, 1), jnp.float32)),
  )(x, w, deg_parts)


def _head_body(z_ref, y_ref, dinv_ref, bg_ref, w1_ref, b1_ref, w2_ref, b2_ref,
               w3_ref, b3_ref, o_ref):
  z = z_ref[0, pl.ds(0, N), :] + z_ref[1, pl.ds(0, N), :] + y_ref[...]
  h = jax.nn.relu(z * dinv_ref[...] + bg_ref[...])
  h = jax.nn.relu(
      jnp.dot(h, w1_ref[...], preferred_element_type=jnp.float32) + b1_ref[...])
  h = jax.nn.relu(
      jnp.dot(h, w2_ref[...], preferred_element_type=jnp.float32) + b2_ref[...])
  h = jnp.dot(h, w3_ref[...], preferred_element_type=jnp.float32) + b3_ref[...]
  m = jnp.max(h, axis=1, keepdims=True)
  lse = jnp.log(jnp.sum(jnp.exp(h - m), axis=1, keepdims=True))
  o_ref[...] = h - m - lse


def _head_call(z_parts, y, dinv, bg, w1, b1, w2, b2, w3, b3):
  return pl.pallas_call(
      _head_body,
      out_shape=jax.ShapeDtypeStruct((N, C), jnp.float32),
  )(z_parts, y, dinv, bg, w1, b1, w2, b2, w3, b3)


def kernel(x, edge_index, W_gcn, b_gcn, W1, b1, W2, b2, W3, b3):
  ei = edge_index.reshape(-1)
  deg_parts = _deg_kernel(ei)
  y, dinv = _mm_call(x, W_gcn, deg_parts)
  z_parts = _msg_kernel(y, ei)
  return _head_call(z_parts, y, dinv,
                    b_gcn.reshape(1, H), W1, b1.reshape(1, 32),
                    W2, b2.reshape(1, 16), W3, b3.reshape(1, C))

# --- scband reference (transcript-rebuilt; emitter-appended) ---
"""Pipeline reference for scband-net-14147622273471 (READ-ONLY COPY).

The authoritative reference and input builder live on the scoring server;
editing this copy changes nothing except your own understanding.
"""

import jax, jax.numpy as jnp
import numpy as np

N = 10000
E = 320000
D = 128
H = 64
C = 4


def setup_inputs(seed: int = 0) -> dict:
    key = jax.random.key(seed)
    ks = jax.random.split(key, 12)
    x = jax.random.normal(ks[0], (N, D), dtype=jnp.float32)
    edge_index = jax.random.randint(ks[1], (2, E), 0, N, dtype=jnp.int32)
    # GCNConv params (in=D, out=H), glorot-style init
    W_gcn = jax.random.normal(ks[2], (D, H), dtype=jnp.float32) * (1.0 / np.sqrt(D))
    b_gcn = jnp.zeros((H,), dtype=jnp.float32)
    # MLP head params
    W1 = jax.random.normal(ks[3], (H, 32), dtype=jnp.float32) * (1.0 / np.sqrt(H))
    b1 = jnp.zeros((32,), dtype=jnp.float32)
    W2 = jax.random.normal(ks[4], (32, 16), dtype=jnp.float32) * (1.0 / np.sqrt(32))
    b2 = jnp.zeros((16,), dtype=jnp.float32)
    W3 = jax.random.normal(ks[5], (16, C), dtype=jnp.float32) * (1.0 / np.sqrt(16))
    b3 = jnp.zeros((C,), dtype=jnp.float32)
    return {"x": x, "edge_index": edge_index, "W_gcn": W_gcn, "b_gcn": b_gcn,
            "W1": W1, "b1": b1, "W2": W2, "b2": b2, "W3": W3, "b3": b3}


def _gcn_conv(x, edge_index, W, b):
    n = x.shape[0]
    loop = jnp.arange(n, dtype=edge_index.dtype)
    src = jnp.concatenate([edge_index[0], loop])
    dst = jnp.concatenate([edge_index[1], loop])
    xw = x @ W  # [n, H]
    deg = jnp.zeros((n,), dtype=x.dtype).at[dst].add(1.0)
    dinv = jnp.where(deg > 0, deg ** -0.5, 0.0)
    norm = dinv[src] * dinv[dst]  # [E+n]
    msg = xw[src] * norm[:, None]  # gather
    out = jnp.zeros((n, W.shape[1]), dtype=x.dtype).at[dst].add(msg)  # scatter-add
    return out + b


def reference(x, edge_index, W_gcn, b_gcn, W1, b1, W2, b2, W3, b3):
    # Net.forward with i in range(1): single GCNConv branch
    h = _gcn_conv(x, edge_index, W_gcn, b_gcn)
    h = jax.nn.relu(h)
    # dropout p=0.12 is identity in eval mode
    h = h @ W1 + b1
    h = jax.nn.relu(h)
    h = h @ W2 + b2
    h = jax.nn.relu(h)
    h = h @ W3 + b3
    return jax.nn.log_softmax(h, axis=1)

if __name__ == "__main__":
    import jax
    _d = setup_inputs()
    print(jax.jit(kernel)(*tuple(_d.values())))

</pallas_src>

<mosaic_0001>
#map = affine_map<(d0, d1) -> (0)>
#map1 = affine_map<(d0, d1) -> (0, 0, 0)>
module attributes {stable_mosaic.version = 14 : i64} {
  func.func @_deg_kernel(%arg0: i32, %arg1: i32, %arg2: memref<640000xi32, #tpu.memory_space<hbm>>, %arg3: memref<2x10112x16xf32, #tpu.memory_space<hbm>>, %arg4: memref<10000xi32, #tpu.memory_space<vmem>>, %arg5: memref<128x16xf32, #tpu.memory_space<vmem>>, %arg6: memref<128x16xf32, #tpu.memory_space<vmem>>, %arg7: memref<10112x16xf32, #tpu.memory_space<vmem_shared>>, %arg8: memref<!tpu.dma_semaphore, #tpu.memory_space<semaphore_mem>>, %arg9: memref<!tpu.dma_semaphore, #tpu.memory_space<semaphore_mem>>) attributes {dimension_semantics = [#tpu.dimension_semantics<core_parallel>, #tpu.dimension_semantics<subcore_parallel>], iteration_bounds = array<i64: 2, 16>, scalar_prefetch = 0 : i64, scratch_operands = 6 : i64, tpu.core_type = #tpu.core_type<sc_vector_subcore>, window_params = [{transform_indices = #map}, {transform_indices = #map1}]} {
    %mul3A = arith.constant 2 : i32
    %mul3A_0 = arith.muli %arg1, %mul3A : i32
    %add3A = arith.addi %mul3A_0, %arg0 : i32
    %mul3A_1 = arith.constant 632 : i32
    %mul3A_2 = arith.muli %arg1, %mul3A_1 : i32
    %multiple_of3A = tpu.assume_multiple %mul3A_2, 8 : i32
    %mul3A_3 = arith.constant 10000 : i32
    %mul3A_4 = arith.muli %add3A, %mul3A_3 : i32
    %add3A_5 = arith.constant 320000 : i32
    %add3A_6 = arith.addi %add3A_5, %mul3A_4 : i32
    %multiple_of3A_7 = tpu.assume_multiple %add3A_6, 8 : i32
    %broadcast_in_dim3A = arith.constant 1.000000e+00 : f32
    %broadcast_in_dim3A_8 = vector.broadcast %broadcast_in_dim3A : f32 to vector<16xf32>
    %dma_start3A = tpu.memref_slice %arg2[%multiple_of3A_7] : memref<640000xi32, #tpu.memory_space<hbm>> -> memref<10000xi32, #tpu.memory_space<hbm>>
    %dma_start3A_9 = tpu.memref_slice %arg2[%multiple_of3A_7] : memref<640000xi32, #tpu.memory_space<hbm>> -> memref<10000xi32, #tpu.memory_space<hbm>>
    tpu.enqueue_dma source(%dma_start3A_9 : memref<10000xi32, #tpu.memory_space<hbm>>) target(%arg4 : memref<10000xi32, #tpu.memory_space<vmem>>) target_semaphore(%arg8 : memref<!tpu.dma_semaphore, #tpu.memory_space<semaphore_mem>>)
    %scan3A = arith.constant 0 : i32
    %scan3A_10 = arith.constant 128 : i32
    %scan3A_11 = arith.addi %scan3A, %scan3A_10 : i32
    %scan3A_12 = arith.constant 1 : i32
    scf.for %scan3A_58 = %scan3A to %scan3A_11 step %scan3A_12  : i32 {
      %mul3A_59 = arith.constant 1 : i32
      %mul3A_60 = arith.muli %scan3A_58, %mul3A_59 : i32
      %add3A_61 = arith.constant 0 : i32
      %add3A_62 = arith.addi %add3A_61, %mul3A_60 : i32
      %swap3A = arith.index_cast %add3A_62 : i32 to index
      %swap3A_63 = arith.constant 0 : index
      %swap3A_64 = tpu.vector_load %arg5[%swap3A, %swap3A_63] {strides = array<i32>} : memref<128x16xf32, #tpu.memory_space<vmem>>, vector<1x16xf32>,
      %swap3A_65 = vector.shape_cast %swap3A_64 : vector<1x16xf32> to vector<16xf32>
      %swap3A_66 = vector.shape_cast %broadcast_in_dim3A_8 : vector<16xf32> to vector<1x16xf32>
      tpu.vector_store %arg5[%swap3A, %swap3A_63], %swap3A_66 {strides = array<i32>} : memref<128x16xf32, #tpu.memory_space<vmem>>, vector<1x16xf32>,
    }
    %scan3A_13 = arith.constant 128 : i32
    %broadcast_in_dim3A_14 = arith.constant 0.000000e+00 : f32
    %broadcast_in_dim3A_15 = vector.broadcast %broadcast_in_dim3A_14 : f32 to vector<16xf32>
    %scan3A_16 = arith.constant 0 : i32
    %scan3A_17 = arith.constant 128 : i32
    %scan3A_18 = arith.addi %scan3A_16, %scan3A_17 : i32
    %scan3A_19 = arith.constant 1 : i32
    scf.for %scan3A_58 = %scan3A_16 to %scan3A_18 step %scan3A_19  : i32 {
      %mul3A_59 = arith.constant 1 : i32
      %mul3A_60 = arith.muli %scan3A_58, %mul3A_59 : i32
      %add3A_61 = arith.constant 0 : i32
      %add3A_62 = arith.addi %add3A_61, %mul3A_60 : i32
      %swap3A = arith.index_cast %add3A_62 : i32 to index
      %swap3A_63 = arith.constant 0 : index
      %swap3A_64 = tpu.vector_load %arg6[%swap3A, %swap3A_63] {strides = array<i32>} : memref<128x16xf32, #tpu.memory_space<vmem>>, vector<1x16xf32>,
      %swap3A_65 = vector.shape_cast %swap3A_64 : vector<1x16xf32> to vector<16xf32>
      %swap3A_66 = vector.shape_cast %broadcast_in_dim3A_15 : vector<16xf32> to vector<1x16xf32>
      tpu.vector_store %arg6[%swap3A, %swap3A_63], %swap3A_66 {strides = array<i32>} : memref<128x16xf32, #tpu.memory_space<vmem>>, vector<1x16xf32>,
    }
    %scan3A_20 = arith.constant 128 : i32
    %add3A_21 = arith.constant 0 : i32
    %add3A_22 = arith.addi %multiple_of3A, %add3A_21 : i32
    "tpu.region"() ({
      %run_scoped3A = tpu.sem_alloc : memref<!tpu.dma_semaphore, #tpu.memory_space<semaphore_mem>>
      %dma_start3A_58 = arith.constant 0 : i32
      %dma_start3A_59 = tpu.memref_slice %arg7[%add3A_22, %dma_start3A_58] : memref<10112x16xf32, #tpu.memory_space<vmem_shared>> -> memref<128x16xf32, #tpu.memory_space<vmem_shared>>
      %dma_start3A_60 = arith.constant 0 : i32
      %dma_start3A_61 = tpu.memref_slice %arg7[%add3A_22, %dma_start3A_60] : memref<10112x16xf32, #tpu.memory_space<vmem_shared>> -> memref<128x16xf32, #tpu.memory_space<vmem_shared>>
      tpu.enqueue_dma source(%arg6 : memref<128x16xf32, #tpu.memory_space<vmem>>) target(%dma_start3A_61 : memref<128x16xf32, #tpu.memory_space<vmem_shared>>) target_semaphore(%run_scoped3A : memref<!tpu.dma_semaphore, #tpu.memory_space<semaphore_mem>>)
      %dma_wait3A_62 = arith.constant 0 : i32
      %dma_wait3A_63 = tpu.memref_slice %arg7[%add3A_22, %dma_wait3A_62] : memref<10112x16xf32, #tpu.memory_space<vmem_shared>> -> memref<128x16xf32, #tpu.memory_space<vmem_shared>>
      %dma_wait3A_64 = arith.constant 0 : i32
      %dma_wait3A_65 = tpu.memref_slice %arg7[%add3A_22, %dma_wait3A_64] : memref<10112x16xf32, #tpu.memory_space<vmem_shared>> -> memref<128x16xf32, #tpu.memory_space<vmem_shared>>
      tpu.wait_dma2 semaphore(%run_scoped3A : memref<!tpu.dma_semaphore, #tpu.memory_space<semaphore_mem>>) src(%arg6 : memref<128x16xf32, #tpu.memory_space<vmem>>) dst(%dma_wait3A_65 : memref<128x16xf32, #tpu.memory_space<vmem_shared>>)
      tpu.yield
    }) : () -> ()
    %add3A_23 = arith.constant 128 : i32
    %add3A_24 = arith.addi %multiple_of3A, %add3A_23 : i32
    "tpu.region"() ({
      %run_scoped3A = tpu.sem_alloc : memref<!tpu.dma_semaphore, #tpu.memory_space<semaphore_mem>>
      %dma_start3A_58 = arith.constant 0 : i32
      %dma_start3A_59 = tpu.memref_slice %arg7[%add3A_24, %dma_start3A_58] : memref<10112x16xf32, #tpu.memory_space<vmem_shared>> -> memref<128x16xf32, #tpu.memory_space<vmem_shared>>
      %dma_start3A_60 = arith.constant 0 : i32
      %dma_start3A_61 = tpu.memref_slice %arg7[%add3A_24, %dma_start3A_60] : memref<10112x16xf32, #tpu.memory_space<vmem_shared>> -> memref<128x16xf32, #tpu.memory_space<vmem_shared>>
      tpu.enqueue_dma source(%arg6 : memref<128x16xf32, #tpu.memory_space<vmem>>) target(%dma_start3A_61 : memref<128x16xf32, #tpu.memory_space<vmem_shared>>) target_semaphore(%run_scoped3A : memref<!tpu.dma_semaphore, #tpu.memory_space<semaphore_mem>>)
      %dma_wait3A_62 = arith.constant 0 : i32
      %dma_wait3A_63 = tpu.memref_slice %arg7[%add3A_24, %dma_wait3A_62] : memref<10112x16xf32, #tpu.memory_space<vmem_shared>> -> memref<128x16xf32, #tpu.memory_space<vmem_shared>>
      %dma_wait3A_64 = arith.constant 0 : i32
      %dma_wait3A_65 = tpu.memref_slice %arg7[%add3A_24, %dma_wait3A_64] : memref<10112x16xf32, #tpu.memory_space<vmem_shared>> -> memref<128x16xf32, #tpu.memory_space<vmem_shared>>
      tpu.wait_dma2 semaphore(%run_scoped3A : memref<!tpu.dma_semaphore, #tpu.memory_space<semaphore_mem>>) src(%arg6 : memref<128x16xf32, #tpu.memory_space<vmem>>) dst(%dma_wait3A_65 : memref<128x16xf32, #tpu.memory_space<vmem_shared>>)
      tpu.yield
    }) : () -> ()
    %add3A_25 = arith.constant 256 : i32
    %add3A_26 = arith.addi %multiple_of3A, %add3A_25 : i32
    "tpu.region"() ({
      %run_scoped3A = tpu.sem_alloc : memref<!tpu.dma_semaphore, #tpu.memory_space<semaphore_mem>>
      %dma_start3A_58 = arith.constant 0 : i32
      %dma_start3A_59 = tpu.memref_slice %arg7[%add3A_26, %dma_start3A_58] : memref<10112x16xf32, #tpu.memory_space<vmem_shared>> -> memref<128x16xf32, #tpu.memory_space<vmem_shared>>
      %dma_start3A_60 = arith.constant 0 : i32
      %dma_start3A_61 = tpu.memref_slice %arg7[%add3A_26, %dma_start3A_60] : memref<10112x16xf32, #tpu.memory_space<vmem_shared>> -> memref<128x16xf32, #tpu.memory_space<vmem_shared>>
      tpu.enqueue_dma source(%arg6 : memref<128x16xf32, #tpu.memory_space<vmem>>) target(%dma_start3A_61 : memref<128x16xf32, #tpu.memory_space<vmem_shared>>) target_semaphore(%run_scoped3A : memref<!tpu.dma_semaphore, #tpu.memory_space<semaphore_mem>>)
      %dma_wait3A_62 = arith.constant 0 : i32
      %dma_wait3A_63 = tpu.memref_slice %arg7[%add3A_26, %dma_wait3A_62] : memref<10112x16xf32, #tpu.memory_space<vmem_shared>> -> memref<128x16xf32, #tpu.memory_space<vmem_shared>>
      %dma_wait3A_64 = arith.constant 0 : i32
      %dma_wait3A_65 = tpu.memref_slice %arg7[%add3A_26, %dma_wait3A_64] : memref<10112x16xf32, #tpu.memory_space<vmem_shared>> -> memref<128x16xf32, #tpu.memory_space<vmem_shared>>
      tpu.wait_dma2 semaphore(%run_scoped3A : memref<!tpu.dma_semaphore, #tpu.memory_space<semaphore_mem>>) src(%arg6 : memref<128x16xf32, #tpu.memory_space<vmem>>) dst(%dma_wait3A_65 : memref<128x16xf32, #tpu.memory_space<vmem_shared>>)
      tpu.yield
    }) : () -> ()
    %add3A_27 = arith.constant 384 : i32
    %add3A_28 = arith.addi %multiple_of3A, %add3A_27 : i32
    "tpu.region"() ({
      %run_scoped3A = tpu.sem_alloc : memref<!tpu.dma_semaphore, #tpu.memory_space<semaphore_mem>>
      %dma_start3A_58 = arith.constant 0 : i32
      %dma_start3A_59 = tpu.memref_slice %arg7[%add3A_28, %dma_start3A_58] : memref<10112x16xf32, #tpu.memory_space<vmem_shared>> -> memref<128x16xf32, #tpu.memory_space<vmem_shared>>
      %dma_start3A_60 = arith.constant 0 : i32
      %dma_start3A_61 = tpu.memref_slice %arg7[%add3A_28, %dma_start3A_60] : memref<10112x16xf32, #tpu.memory_space<vmem_shared>> -> memref<128x16xf32, #tpu.memory_space<vmem_shared>>
      tpu.enqueue_dma source(%arg6 : memref<128x16xf32, #tpu.memory_space<vmem>>) target(%dma_start3A_61 : memref<128x16xf32, #tpu.memory_space<vmem_shared>>) target_semaphore(%run_scoped3A : memref<!tpu.dma_semaphore, #tpu.memory_space<semaphore_mem>>)
      %dma_wait3A_62 = arith.constant 0 : i32
      %dma_wait3A_63 = tpu.memref_slice %arg7[%add3A_28, %dma_wait3A_62] : memref<10112x16xf32, #tpu.memory_space<vmem_shared>> -> memref<128x16xf32, #tpu.memory_space<vmem_shared>>
      %dma_wait3A_64 = arith.constant 0 : i32
      %dma_wait3A_65 = tpu.memref_slice %arg7[%add3A_28, %dma_wait3A_64] : memref<10112x16xf32, #tpu.memory_space<vmem_shared>> -> memref<128x16xf32, #tpu.memory_space<vmem_shared>>
      tpu.wait_dma2 semaphore(%run_scoped3A : memref<!tpu.dma_semaphore, #tpu.memory_space<semaphore_mem>>) src(%arg6 : memref<128x16xf32, #tpu.memory_space<vmem>>) dst(%dma_wait3A_65 : memref<128x16xf32, #tpu.memory_space<vmem_shared>>)
      tpu.yield
    }) : () -> ()
    %add3A_29 = arith.constant 512 : i32
    %add3A_30 = arith.addi %multiple_of3A, %add3A_29 : i32
    "tpu.region"() ({
      %run_scoped3A = tpu.sem_alloc : memref<!tpu.dma_semaphore, #tpu.memory_space<semaphore_mem>>
      %dma_start3A_58 = arith.constant 0 : i32
      %dma_start3A_59 = arith.constant 0 : i32
      %dma_start3A_60 = tpu.memref_slice %arg6[%dma_start3A_58, %dma_start3A_59] : memref<128x16xf32, #tpu.memory_space<vmem>> -> memref<120x16xf32, #tpu.memory_space<vmem>>
      %dma_start3A_61 = arith.constant 0 : i32
      %dma_start3A_62 = tpu.memref_slice %arg7[%add3A_30, %dma_start3A_61] : memref<10112x16xf32, #tpu.memory_space<vmem_shared>> -> memref<120x16xf32, #tpu.memory_space<vmem_shared>>
      %dma_start3A_63 = arith.constant 0 : i32
      %dma_start3A_64 = tpu.memref_slice %arg7[%add3A_30, %dma_start3A_63] : memref<10112x16xf32, #tpu.memory_space<vmem_shared>> -> memref<120x16xf32, #tpu.memory_space<vmem_shared>>
      %dma_start3A_65 = arith.constant 0 : i32
      %dma_start3A_66 = arith.constant 0 : i32
      %dma_start3A_67 = tpu.memref_slice %arg6[%dma_start3A_65, %dma_start3A_66] : memref<128x16xf32, #tpu.memory_space<vmem>> -> memref<120x16xf32, #tpu.memory_space<vmem>>
      tpu.enqueue_dma source(%dma_start3A_67 : memref<120x16xf32, #tpu.memory_space<vmem>>) target(%dma_start3A_64 : memref<120x16xf32, #tpu.memory_space<vmem_shared>>) target_semaphore(%run_scoped3A : memref<!tpu.dma_semaphore, #tpu.memory_space<semaphore_mem>>)
      %dma_wait3A_68 = arith.constant 0 : i32
      %dma_wait3A_69 = arith.constant 0 : i32
      %dma_wait3A_70 = tpu.memref_slice %arg6[%dma_wait3A_68, %dma_wait3A_69] : memref<128x16xf32, #tpu.memory_space<vmem>> -> memref<120x16xf32, #tpu.memory_space<vmem>>
      %dma_wait3A_71 = arith.constant 0 : i32
      %dma_wait3A_72 = tpu.memref_slice %arg7[%add3A_30, %dma_wait3A_71] : memref<10112x16xf32, #tpu.memory_space<vmem_shared>> -> memref<120x16xf32, #tpu.memory_space<vmem_shared>>
      %dma_wait3A_73 = arith.constant 0 : i32
      %dma_wait3A_74 = tpu.memref_slice %arg7[%add3A_30, %dma_wait3A_73] : memref<10112x16xf32, #tpu.memory_space<vmem_shared>> -> memref<120x16xf32, #tpu.memory_space<vmem_shared>>
      %dma_wait3A_75 = arith.constant 0 : i32
      %dma_wait3A_76 = arith.constant 0 : i32
      %dma_wait3A_77 = tpu.memref_slice %arg6[%dma_wait3A_75, %dma_wait3A_76] : memref<128x16xf32, #tpu.memory_space<vmem>> -> memref<120x16xf32, #tpu.memory_space<vmem>>
      tpu.wait_dma2 semaphore(%run_scoped3A : memref<!tpu.dma_semaphore, #tpu.memory_space<semaphore_mem>>) src(%dma_wait3A_77 : memref<120x16xf32, #tpu.memory_space<vmem>>) dst(%dma_wait3A_74 : memref<120x16xf32, #tpu.memory_space<vmem_shared>>)
      tpu.yield
    }) : () -> ()
    %dma_wait3A = tpu.memref_slice %arg2[%multiple_of3A_7] : memref<640000xi32, #tpu.memory_space<hbm>> -> memref<10000xi32, #tpu.memory_space<hbm>>
    %dma_wait3A_31 = tpu.memref_slice %arg2[%multiple_of3A_7] : memref<640000xi32, #tpu.memory_space<hbm>> -> memref<10000xi32, #tpu.memory_space<hbm>>
    tpu.wait_dma2 semaphore(%arg8 : memref<!tpu.dma_semaphore, #tpu.memory_space<semaphore_mem>>) src(%dma_wait3A_31 : memref<10000xi32, #tpu.memory_space<hbm>>) dst(%arg4 : memref<10000xi32, #tpu.memory_space<vmem>>)
    %barrier3A = arith.constant 0 : index
    tpu.barrier barrier_id(%barrier3A)
    %dma_start3A_32 = arith.constant 0 : i32
    %dma_start3A_33 = tpu.memref_slice %arg4[%dma_start3A_32] : memref<10000xi32, #tpu.memory_space<vmem>> -> memref<128xi32, #tpu.memory_space<vmem>>
    %dma_start3A_34 = arith.constant 0 : i32
    %dma_start3A_35 = arith.constant 0 : i32
    %dma_start3A_36 = tpu.memref_slice %arg7[%dma_start3A_34, %dma_start3A_35] : memref<10112x16xf32, #tpu.memory_space<vmem_shared>> -> memref<10112x16xf32, #tpu.memory_space<vmem_shared>>
    tpu.enqueue_indirect_dma source(%arg5 : memref<128x16xf32, #tpu.memory_space<vmem>>) target(%dma_start3A_36 : memref<10112x16xf32, #tpu.memory_space<vmem_shared>>) offsets(%dma_start3A_33 : memref<128xi32, #tpu.memory_space<vmem>>) semaphore(%arg8 : memref<!tpu.dma_semaphore, #tpu.memory_space<semaphore_mem>>) {add = true}
    %dma_start3A_37 = arith.constant 128 : i32
    %dma_start3A_38 = tpu.memref_slice %arg4[%dma_start3A_37] : memref<10000xi32, #tpu.memory_space<vmem>> -> memref<128xi32, #tpu.memory_space<vmem>>
    %dma_start3A_39 = arith.constant 0 : i32
    %dma_start3A_40 = arith.constant 0 : i32
    %dma_start3A_41 = tpu.memref_slice %arg7[%dma_start3A_39, %dma_start3A_40] : memref<10112x16xf32, #tpu.memory_space<vmem_shared>> -> memref<10112x16xf32, #tpu.memory_space<vmem_shared>>
    tpu.enqueue_indirect_dma source(%arg5 : memref<128x16xf32, #tpu.memory_space<vmem>>) target(%dma_start3A_41 : memref<10112x16xf32, #tpu.memory_space<vmem_shared>>) offsets(%dma_start3A_38 : memref<128xi32, #tpu.memory_space<vmem>>) semaphore(%arg9 : memref<!tpu.dma_semaphore, #tpu.memory_space<semaphore_mem>>) {add = true}
    %scan3A_42 = arith.constant 0 : i32
    %scan3A_43 = arith.constant 38 : i32
    %scan3A_44 = arith.addi %scan3A_42, %scan3A_43 : i32
    %scan3A_45 = arith.constant 1 : i32
    scf.for %scan3A_58 = %scan3A_42 to %scan3A_44 step %scan3A_45  : i32 {
      %mul3A_59 = arith.constant 1 : i32
      %mul3A_60 = arith.muli %scan3A_58, %mul3A_59 : i32
      %add3A_61 = arith.constant 0 : i32
      %add3A_62 = arith.addi %add3A_61, %mul3A_60 : i32
      %dma_wait3A_63 = arith.constant 0 : i32
      %dma_wait3A_64 = tpu.memref_slice %arg4[%dma_wait3A_63] : memref<10000xi32, #tpu.memory_space<vmem>> -> memref<128xi32, #tpu.memory_space<vmem>>
      %dma_wait3A_65 = arith.constant 0 : i32
      %dma_wait3A_66 = arith.constant 0 : i32
      %dma_wait3A_67 = tpu.memref_slice %arg7[%dma_wait3A_65, %dma_wait3A_66] : memref<10112x16xf32, #tpu.memory_space<vmem_shared>> -> memref<10112x16xf32, #tpu.memory_space<vmem_shared>>
      tpu.wait_indirect_dma semaphore(%arg8 : memref<!tpu.dma_semaphore, #tpu.memory_space<semaphore_mem>>) src(%arg5 : memref<128x16xf32, #tpu.memory_space<vmem>>) dst(%dma_wait3A_67 : memref<10112x16xf32, #tpu.memory_space<vmem_shared>>)
      %mul3A_68 = arith.constant 2 : i32
      %mul3A_69 = arith.muli %add3A_62, %mul3A_68 : i32
      %add3A_70 = arith.constant 2 : i32
      %add3A_71 = arith.addi %mul3A_69, %add3A_70 : i32
      %mul3A_72 = arith.constant 128 : i32
      %mul3A_73 = arith.muli %add3A_71, %mul3A_72 : i32
      %dma_start3A_74 = tpu.memref_slice %arg4[%mul3A_73] : memref<10000xi32, #tpu.memory_space<vmem>> -> memref<128xi32, #tpu.memory_space<vmem>>
      %dma_start3A_75 = arith.constant 0 : i32
      %dma_start3A_76 = arith.constant 0 : i32
      %dma_start3A_77 = tpu.memref_slice %arg7[%dma_start3A_75, %dma_start3A_76] : memref<10112x16xf32, #tpu.memory_space<vmem_shared>> -> memref<10112x16xf32, #tpu.memory_space<vmem_shared>>
      tpu.enqueue_indirect_dma source(%arg5 : memref<128x16xf32, #tpu.memory_space<vmem>>) target(%dma_start3A_77 : memref<10112x16xf32, #tpu.memory_space<vmem_shared>>) offsets(%dma_start3A_74 : memref<128xi32, #tpu.memory_space<vmem>>) semaphore(%arg8 : memref<!tpu.dma_semaphore, #tpu.memory_space<semaphore_mem>>) {add = true}
      %dma_wait3A_78 = arith.constant 0 : i32
      %dma_wait3A_79 = tpu.memref_slice %arg4[%dma_wait3A_78] : memref<10000xi32, #tpu.memory_space<vmem>> -> memref<128xi32, #tpu.memory_space<vmem>>
      %dma_wait3A_80 = arith.constant 0 : i32
      %dma_wait3A_81 = arith.constant 0 : i32
      %dma_wait3A_82 = tpu.memref_slice %arg7[%dma_wait3A_80, %dma_wait3A_81] : memref<10112x16xf32, #tpu.memory_space<vmem_shared>> -> memref<10112x16xf32, #tpu.memory_space<vmem_shared>>
      tpu.wait_indirect_dma semaphore(%arg9 : memref<!tpu.dma_semaphore, #tpu.memory_space<semaphore_mem>>) src(%arg5 : memref<128x16xf32, #tpu.memory_space<vmem>>) dst(%dma_wait3A_82 : memref<10112x16xf32, #tpu.memory_space<vmem_shared>>)
      %mul3A_83 = arith.constant 2 : i32
      %mul3A_84 = arith.muli %add3A_62, %mul3A_83 : i32
      %add3A_85 = arith.constant 3 : i32
      %add3A_86 = arith.addi %mul3A_84, %add3A_85 : i32
      %mul3A_87 = arith.constant 128 : i32
      %mul3A_88 = arith.muli %add3A_86, %mul3A_87 : i32
      %dma_start3A_89 = tpu.memref_slice %arg4[%mul3A_88] : memref<10000xi32, #tpu.memory_space<vmem>> -> memref<128xi32, #tpu.memory_space<vmem>>
      %dma_start3A_90 = arith.constant 0 : i32
      %dma_start3A_91 = arith.constant 0 : i32
      %dma_start3A_92 = tpu.memref_slice %arg7[%dma_start3A_90, %dma_start3A_91] : memref<10112x16xf32, #tpu.memory_space<vmem_shared>> -> memref<10112x16xf32, #tpu.memory_space<vmem_shared>>
      tpu.enqueue_indirect_dma source(%arg5 : memref<128x16xf32, #tpu.memory_space<vmem>>) target(%dma_start3A_92 : memref<10112x16xf32, #tpu.memory_space<vmem_shared>>) offsets(%dma_start3A_89 : memref<128xi32, #tpu.memory_space<vmem>>) semaphore(%arg9 : memref<!tpu.dma_semaphore, #tpu.memory_space<semaphore_mem>>) {add = true}
    }
    %scan3A_46 = arith.constant 38 : i32
    %dma_wait3A_47 = arith.constant 0 : i32
    %dma_wait3A_48 = tpu.memref_slice %arg4[%dma_wait3A_47] : memref<10000xi32, #tpu.memory_space<vmem>> -> memref<128xi32, #tpu.memory_space<vmem>>
    %dma_wait3A_49 = arith.constant 0 : i32
    %dma_wait3A_50 = arith.constant 0 : i32
    %dma_wait3A_51 = tpu.memref_slice %arg7[%dma_wait3A_49, %dma_wait3A_50] : memref<10112x16xf32, #tpu.memory_space<vmem_shared>> -> memref<10112x16xf32, #tpu.memory_space<vmem_shared>>
    tpu.wait_indirect_dma semaphore(%arg8 : memref<!tpu.dma_semaphore, #tpu.memory_space<semaphore_mem>>) src(%arg5 : memref<128x16xf32, #tpu.memory_space<vmem>>) dst(%dma_wait3A_51 : memref<10112x16xf32, #tpu.memory_space<vmem_shared>>)
    %dma_wait3A_52 = arith.constant 0 : i32
    %dma_wait3A_53 = tpu.memref_slice %arg4[%dma_wait3A_52] : memref<10000xi32, #tpu.memory_space<vmem>> -> memref<128xi32, #tpu.memory_space<vmem>>
    %dma_wait3A_54 = arith.constant 0 : i32
    %dma_wait3A_55 = arith.constant 0 : i32
    %dma_wait3A_56 = tpu.memref_slice %arg7[%dma_wait3A_54, %dma_wait3A_55] : memref<10112x16xf32, #tpu.memory_space<vmem_shared>> -> memref<10112x16xf32, #tpu.memory_space<vmem_shared>>
    tpu.wait_indirect_dma semaphore(%arg9 : memref<!tpu.dma_semaphore, #tpu.memory_space<semaphore_mem>>) src(%arg5 : memref<128x16xf32, #tpu.memory_space<vmem>>) dst(%dma_wait3A_56 : memref<10112x16xf32, #tpu.memory_space<vmem_shared>>)
    "tpu.region"() ({
      %run_scoped3A = tpu.sem_alloc : memref<!tpu.dma_semaphore, #tpu.memory_space<semaphore_mem>>
      %dma_start3A_58 = arith.constant 0 : i32
      %dma_start3A_59 = arith.constant 0 : i32
      %dma_start3A_60 = tpu.memref_slice %arg5[%dma_start3A_58, %dma_start3A_59] : memref<128x16xf32, #tpu.memory_space<vmem>> -> memref<16x16xf32, #tpu.memory_space<vmem>>
      %dma_start3A_61 = arith.constant 9984 : i32
      %dma_start3A_62 = tpu.memref_slice %arg4[%dma_start3A_61] : memref<10000xi32, #tpu.memory_space<vmem>> -> memref<16xi32, #tpu.memory_space<vmem>>
      %dma_start3A_63 = arith.constant 0 : i32
      %dma_start3A_64 = arith.constant 0 : i32
      %dma_start3A_65 = tpu.memref_slice %arg7[%dma_start3A_63, %dma_start3A_64] : memref<10112x16xf32, #tpu.memory_space<vmem_shared>> -> memref<10112x16xf32, #tpu.memory_space<vmem_shared>>
      tpu.enqueue_indirect_dma source(%dma_start3A_60 : memref<16x16xf32, #tpu.memory_space<vmem>>) target(%dma_start3A_65 : memref<10112x16xf32, #tpu.memory_space<vmem_shared>>) offsets(%dma_start3A_62 : memref<16xi32, #tpu.memory_space<vmem>>) semaphore(%run_scoped3A : memref<!tpu.dma_semaphore, #tpu.memory_space<semaphore_mem>>) {add = true}
      %dma_wait3A_66 = arith.constant 0 : i32
      %dma_wait3A_67 = arith.constant 0 : i32
      %dma_wait3A_68 = tpu.memref_slice %arg5[%dma_wait3A_66, %dma_wait3A_67] : memref<128x16xf32, #tpu.memory_space<vmem>> -> memref<16x16xf32, #tpu.memory_space<vmem>>
      %dma_wait3A_69 = arith.constant 9984 : i32
      %dma_wait3A_70 = tpu.memref_slice %arg4[%dma_wait3A_69] : memref<10000xi32, #tpu.memory_space<vmem>> -> memref<16xi32, #tpu.memory_space<vmem>>
      %dma_wait3A_71 = arith.constant 0 : i32
      %dma_wait3A_72 = arith.constant 0 : i32
      %dma_wait3A_73 = tpu.memref_slice %arg7[%dma_wait3A_71, %dma_wait3A_72] : memref<10112x16xf32, #tpu.memory_space<vmem_shared>> -> memref<10112x16xf32, #tpu.memory_space<vmem_shared>>
      tpu.wait_indirect_dma semaphore(%run_scoped3A : memref<!tpu.dma_semaphore, #tpu.memory_space<semaphore_mem>>) src(%dma_wait3A_68 : memref<16x16xf32, #tpu.memory_space<vmem>>) dst(%dma_wait3A_73 : memref<10112x16xf32, #tpu.memory_space<vmem_shared>>)
      tpu.yield
    }) : () -> ()
    %barrier3A_57 = arith.constant 0 : index
    tpu.barrier barrier_id(%barrier3A_57)
    "tpu.region"() ({
      %run_scoped3A = tpu.sem_alloc : memref<!tpu.dma_semaphore, #tpu.memory_space<semaphore_mem>>
      %dma_start3A_58 = arith.constant 0 : i32
      %dma_start3A_59 = tpu.memref_slice %arg3[%arg0, %multiple_of3A, %dma_start3A_58] : memref<2x10112x16xf32, #tpu.memory_space<hbm>> -> memref<1x632x16xf32, #tpu.memory_space<hbm>>
      %dma_start3A_60 = tpu.memref_squeeze %dma_start3A_59 : memref<1x632x16xf32, #tpu.memory_space<hbm>> -> memref<632x16xf32, #tpu.memory_space<hbm>>
      %dma_start3A_61 = arith.constant 0 : i32
      %dma_start3A_62 = tpu.memref_slice %arg7[%multiple_of3A, %dma_start3A_61] : memref<10112x16xf32, #tpu.memory_space<vmem_shared>> -> memref<632x16xf32, #tpu.memory_space<vmem_shared>>
      tpu.enqueue_dma source(%dma_start3A_62 : memref<632x16xf32, #tpu.memory_space<vmem_shared>>) target(%dma_start3A_60 : memref<632x16xf32, #tpu.memory_space<hbm>>) target_semaphore(%run_scoped3A : memref<!tpu.dma_semaphore, #tpu.memory_space<semaphore_mem>>)
      %dma_wait3A_63 = arith.constant 0 : i32
      %dma_wait3A_64 = tpu.memref_slice %arg3[%arg0, %multiple_of3A, %dma_wait3A_63] : memref<2x10112x16xf32, #tpu.memory_space<hbm>> -> memref<1x632x16xf32, #tpu.memory_space<hbm>>
      %dma_wait3A_65 = tpu.memref_squeeze %dma_wait3A_64 : memref<1x632x16xf32, #tpu.memory_space<hbm>> -> memref<632x16xf32, #tpu.memory_space<hbm>>
      %dma_wait3A_66 = arith.constant 0 : i32
      %dma_wait3A_67 = tpu.memref_slice %arg7[%multiple_of3A, %dma_wait3A_66] : memref<10112x16xf32, #tpu.memory_space<vmem_shared>> -> memref<632x16xf32, #tpu.memory_space<vmem_shared>>
      tpu.wait_dma2 semaphore(%run_scoped3A : memref<!tpu.dma_semaphore, #tpu.memory_space<semaphore_mem>>) src(%dma_wait3A_67 : memref<632x16xf32, #tpu.memory_space<vmem_shared>>) dst(%dma_wait3A_65 : memref<632x16xf32, #tpu.memory_space<hbm>>)
      tpu.yield
    }) : () -> ()
    return
  }
}

#map = affine_map<(d0, d1) -> (0, 0)>
#map1 = affine_map<(d0, d1) -> (0)>
#map2 = affine_map<(d0, d1) -> (0, 0, 0)>
module attributes {stable_mosaic.version = 14 : i64} {
  func.func @_msg_kernel(%arg0: i32, %arg1: i32, %arg2: memref<10000x64xf32, #tpu.memory_space<hbm>>, %arg3: memref<640000xi32, #tpu.memory_space<hbm>>, %arg4: memref<2x10112x64xf32, #tpu.memory_space<hbm>>, %arg5: memref<10000xi32, #tpu.memory_space<vmem>>, %arg6: memref<10000xi32, #tpu.memory_space<vmem>>, %arg7: memref<128x64xf32, #tpu.memory_space<vmem>>, %arg8: memref<128x64xf32, #tpu.memory_space<vmem>>, %arg9: memref<128x64xf32, #tpu.memory_space<vmem>>, %arg10: memref<128x64xf32, #tpu.memory_space<vmem>>, %arg11: memref<10112x64xf32, #tpu.memory_space<vmem_shared>>, %arg12: memref<!tpu.dma_semaphore, #tpu.memory_space<semaphore_mem>>, %arg13: memref<!tpu.dma_semaphore, #tpu.memory_space<semaphore_mem>>, %arg14: memref<!tpu.dma_semaphore, #tpu.memory_space<semaphore_mem>>) attributes {dimension_semantics = [#tpu.dimension_semantics<core_parallel>, #tpu.dimension_semantics<subcore_parallel>], iteration_bounds = array<i64: 2, 16>, scalar_prefetch = 0 : i64, scratch_operands = 10 : i64, tpu.core_type = #tpu.core_type<sc_vector_subcore>, window_params = [{transform_indices = #map}, {transform_indices = #map1}, {transform_indices = #map2}]} {
    %mul3A = arith.constant 2 : i32
    %mul3A_0 = arith.muli %arg1, %mul3A : i32
    %add3A = arith.addi %mul3A_0, %arg0 : i32
    %mul3A_1 = arith.constant 632 : i32
    %mul3A_2 = arith.muli %arg1, %mul3A_1 : i32
    %multiple_of3A = tpu.assume_multiple %mul3A_2, 8 : i32
    %mul3A_3 = arith.constant 10000 : i32
    %mul3A_4 = arith.muli %add3A, %mul3A_3 : i32
    %multiple_of3A_5 = tpu.assume_multiple %mul3A_4, 8 : i32
    %dma_start3A = tpu.memref_slice %arg3[%multiple_of3A_5] : memref<640000xi32, #tpu.memory_space<hbm>> -> memref<10000xi32, #tpu.memory_space<hbm>>
    %dma_start3A_6 = tpu.memref_slice %arg3[%multiple_of3A_5] : memref<640000xi32, #tpu.memory_space<hbm>> -> memref<10000xi32, #tpu.memory_space<hbm>>
    tpu.enqueue_dma source(%dma_start3A_6 : memref<10000xi32, #tpu.memory_space<hbm>>) target(%arg5 : memref<10000xi32, #tpu.memory_space<vmem>>) target_semaphore(%arg12 : memref<!tpu.dma_semaphore, #tpu.memory_space<semaphore_mem>>)
    %add3A_7 = arith.constant 320000 : i32
    %add3A_8 = arith.addi %add3A_7, %multiple_of3A_5 : i32
    %multiple_of3A_9 = tpu.assume_multiple %add3A_8, 8 : i32
    %dma_start3A_10 = tpu.memref_slice %arg3[%multiple_of3A_9] : memref<640000xi32, #tpu.memory_space<hbm>> -> memref<10000xi32, #tpu.memory_space<hbm>>
    %dma_start3A_11 = tpu.memref_slice %arg3[%multiple_of3A_9] : memref<640000xi32, #tpu.memory_space<hbm>> -> memref<10000xi32, #tpu.memory_space<hbm>>
    tpu.enqueue_dma source(%dma_start3A_11 : memref<10000xi32, #tpu.memory_space<hbm>>) target(%arg6 : memref<10000xi32, #tpu.memory_space<vmem>>) target_semaphore(%arg13 : memref<!tpu.dma_semaphore, #tpu.memory_space<semaphore_mem>>)
    %broadcast_in_dim3A = arith.constant 0.000000e+00 : f32
    %broadcast_in_dim3A_12 = vector.broadcast %broadcast_in_dim3A : f32 to vector<16xf32>
    %scan3A = arith.constant 0 : i32
    %scan3A_13 = arith.constant 128 : i32
    %scan3A_14 = arith.addi %scan3A, %scan3A_13 : i32
    %scan3A_15 = arith.constant 1 : i32
    scf.for %scan3A_72 = %scan3A to %scan3A_14 step %scan3A_15  : i32 {
      %mul3A_73 = arith.constant 1 : i32
      %mul3A_74 = arith.muli %scan3A_72, %mul3A_73 : i32
      %add3A_75 = arith.constant 0 : i32
      %add3A_76 = arith.addi %add3A_75, %mul3A_74 : i32
      %swap3A = arith.index_cast %add3A_76 : i32 to index
      %swap3A_77 = arith.constant 0 : index
      %swap3A_78 = tpu.vector_load %arg10[%swap3A, %swap3A_77] {strides = array<i32>} : memref<128x64xf32, #tpu.memory_space<vmem>>, vector<1x16xf32>,
      %swap3A_79 = vector.shape_cast %swap3A_78 : vector<1x16xf32> to vector<16xf32>
      %swap3A_80 = vector.shape_cast %broadcast_in_dim3A_12 : vector<16xf32> to vector<1x16xf32>
      tpu.vector_store %arg10[%swap3A, %swap3A_77], %swap3A_80 {strides = array<i32>} : memref<128x64xf32, #tpu.memory_space<vmem>>, vector<1x16xf32>,
      %swap3A_81 = arith.index_cast %add3A_76 : i32 to index
      %swap3A_82 = arith.constant 16 : index
      %swap3A_83 = tpu.vector_load %arg10[%swap3A_81, %swap3A_82] {strides = array<i32>} : memref<128x64xf32, #tpu.memory_space<vmem>>, vector<1x16xf32>,
      %swap3A_84 = vector.shape_cast %swap3A_83 : vector<1x16xf32> to vector<16xf32>
      %swap3A_85 = vector.shape_cast %broadcast_in_dim3A_12 : vector<16xf32> to vector<1x16xf32>
      tpu.vector_store %arg10[%swap3A_81, %swap3A_82], %swap3A_85 {strides = array<i32>} : memref<128x64xf32, #tpu.memory_space<vmem>>, vector<1x16xf32>,
      %swap3A_86 = arith.index_cast %add3A_76 : i32 to index
      %swap3A_87 = arith.constant 32 : index
      %swap3A_88 = tpu.vector_load %arg10[%swap3A_86, %swap3A_87] {strides = array<i32>} : memref<128x64xf32, #tpu.memory_space<vmem>>, vector<1x16xf32>,
      %swap3A_89 = vector.shape_cast %swap3A_88 : vector<1x16xf32> to vector<16xf32>
      %swap3A_90 = vector.shape_cast %broadcast_in_dim3A_12 : vector<16xf32> to vector<1x16xf32>
      tpu.vector_store %arg10[%swap3A_86, %swap3A_87], %swap3A_90 {strides = array<i32>} : memref<128x64xf32, #tpu.memory_space<vmem>>, vector<1x16xf32>,
      %swap3A_91 = arith.index_cast %add3A_76 : i32 to index
      %swap3A_92 = arith.constant 48 : index
      %swap3A_93 = tpu.vector_load %arg10[%swap3A_91, %swap3A_92] {strides = array<i32>} : memref<128x64xf32, #tpu.memory_space<vmem>>, vector<1x16xf32>,
      %swap3A_94 = vector.shape_cast %swap3A_93 : vector<1x16xf32> to vector<16xf32>
      %swap3A_95 = vector.shape_cast %broadcast_in_dim3A_12 : vector<16xf32> to vector<1x16xf32>
      tpu.vector_store %arg10[%swap3A_91, %swap3A_92], %swap3A_95 {strides = array<i32>} : memref<128x64xf32, #tpu.memory_space<vmem>>, vector<1x16xf32>,
    }
    %scan3A_16 = arith.constant 128 : i32
    %add3A_17 = arith.constant 0 : i32
    %add3A_18 = arith.addi %multiple_of3A, %add3A_17 : i32
    "tpu.region"() ({
      %run_scoped3A = tpu.sem_alloc : memref<!tpu.dma_semaphore, #tpu.memory_space<semaphore_mem>>
      %dma_start3A_72 = arith.constant 0 : i32
      %dma_start3A_73 = tpu.memref_slice %arg11[%add3A_18, %dma_start3A_72] : memref<10112x64xf32, #tpu.memory_space<vmem_shared>> -> memref<128x64xf32, #tpu.memory_space<vmem_shared>>
      %dma_start3A_74 = arith.constant 0 : i32
      %dma_start3A_75 = tpu.memref_slice %arg11[%add3A_18, %dma_start3A_74] : memref<10112x64xf32, #tpu.memory_space<vmem_shared>> -> memref<128x64xf32, #tpu.memory_space<vmem_shared>>
      tpu.enqueue_dma source(%arg10 : memref<128x64xf32, #tpu.memory_space<vmem>>) target(%dma_start3A_75 : memref<128x64xf32, #tpu.memory_space<vmem_shared>>) target_semaphore(%run_scoped3A : memref<!tpu.dma_semaphore, #tpu.memory_space<semaphore_mem>>)
      %dma_wait3A_76 = arith.constant 0 : i32
      %dma_wait3A_77 = tpu.memref_slice %arg11[%add3A_18, %dma_wait3A_76] : memref<10112x64xf32, #tpu.memory_space<vmem_shared>> -> memref<128x64xf32, #tpu.memory_space<vmem_shared>>
      %dma_wait3A_78 = arith.constant 0 : i32
      %dma_wait3A_79 = tpu.memref_slice %arg11[%add3A_18, %dma_wait3A_78] : memref<10112x64xf32, #tpu.memory_space<vmem_shared>> -> memref<128x64xf32, #tpu.memory_space<vmem_shared>>
      tpu.wait_dma2 semaphore(%run_scoped3A : memref<!tpu.dma_semaphore, #tpu.memory_space<semaphore_mem>>) src(%arg10 : memref<128x64xf32, #tpu.memory_space<vmem>>) dst(%dma_wait3A_79 : memref<128x64xf32, #tpu.memory_space<vmem_shared>>)
      tpu.yield
    }) : () -> ()
    %add3A_19 = arith.constant 128 : i32
    %add3A_20 = arith.addi %multiple_of3A, %add3A_19 : i32
    "tpu.region"() ({
      %run_scoped3A = tpu.sem_alloc : memref<!tpu.dma_semaphore, #tpu.memory_space<semaphore_mem>>
      %dma_start3A_72 = arith.constant 0 : i32
      %dma_start3A_73 = tpu.memref_slice %arg11[%add3A_20, %dma_start3A_72] : memref<10112x64xf32, #tpu.memory_space<vmem_shared>> -> memref<128x64xf32, #tpu.memory_space<vmem_shared>>
      %dma_start3A_74 = arith.constant 0 : i32
      %dma_start3A_75 = tpu.memref_slice %arg11[%add3A_20, %dma_start3A_74] : memref<10112x64xf32, #tpu.memory_space<vmem_shared>> -> memref<128x64xf32, #tpu.memory_space<vmem_shared>>
      tpu.enqueue_dma source(%arg10 : memref<128x64xf32, #tpu.memory_space<vmem>>) target(%dma_start3A_75 : memref<128x64xf32, #tpu.memory_space<vmem_shared>>) target_semaphore(%run_scoped3A : memref<!tpu.dma_semaphore, #tpu.memory_space<semaphore_mem>>)
      %dma_wait3A_76 = arith.constant 0 : i32
      %dma_wait3A_77 = tpu.memref_slice %arg11[%add3A_20, %dma_wait3A_76] : memref<10112x64xf32, #tpu.memory_space<vmem_shared>> -> memref<128x64xf32, #tpu.memory_space<vmem_shared>>
      %dma_wait3A_78 = arith.constant 0 : i32
      %dma_wait3A_79 = tpu.memref_slice %arg11[%add3A_20, %dma_wait3A_78] : memref<10112x64xf32, #tpu.memory_space<vmem_shared>> -> memref<128x64xf32, #tpu.memory_space<vmem_shared>>
      tpu.wait_dma2 semaphore(%run_scoped3A : memref<!tpu.dma_semaphore, #tpu.memory_space<semaphore_mem>>) src(%arg10 : memref<128x64xf32, #tpu.memory_space<vmem>>) dst(%dma_wait3A_79 : memref<128x64xf32, #tpu.memory_space<vmem_shared>>)
      tpu.yield
    }) : () -> ()
    %add3A_21 = arith.constant 256 : i32
    %add3A_22 = arith.addi %multiple_of3A, %add3A_21 : i32
    "tpu.region"() ({
      %run_scoped3A = tpu.sem_alloc : memref<!tpu.dma_semaphore, #tpu.memory_space<semaphore_mem>>
      %dma_start3A_72 = arith.constant 0 : i32
      %dma_start3A_73 = tpu.memref_slice %arg11[%add3A_22, %dma_start3A_72] : memref<10112x64xf32, #tpu.memory_space<vmem_shared>> -> memref<128x64xf32, #tpu.memory_space<vmem_shared>>
      %dma_start3A_74 = arith.constant 0 : i32
      %dma_start3A_75 = tpu.memref_slice %arg11[%add3A_22, %dma_start3A_74] : memref<10112x64xf32, #tpu.memory_space<vmem_shared>> -> memref<128x64xf32, #tpu.memory_space<vmem_shared>>
      tpu.enqueue_dma source(%arg10 : memref<128x64xf32, #tpu.memory_space<vmem>>) target(%dma_start3A_75 : memref<128x64xf32, #tpu.memory_space<vmem_shared>>) target_semaphore(%run_scoped3A : memref<!tpu.dma_semaphore, #tpu.memory_space<semaphore_mem>>)
      %dma_wait3A_76 = arith.constant 0 : i32
      %dma_wait3A_77 = tpu.memref_slice %arg11[%add3A_22, %dma_wait3A_76] : memref<10112x64xf32, #tpu.memory_space<vmem_shared>> -> memref<128x64xf32, #tpu.memory_space<vmem_shared>>
      %dma_wait3A_78 = arith.constant 0 : i32
      %dma_wait3A_79 = tpu.memref_slice %arg11[%add3A_22, %dma_wait3A_78] : memref<10112x64xf32, #tpu.memory_space<vmem_shared>> -> memref<128x64xf32, #tpu.memory_space<vmem_shared>>
      tpu.wait_dma2 semaphore(%run_scoped3A : memref<!tpu.dma_semaphore, #tpu.memory_space<semaphore_mem>>) src(%arg10 : memref<128x64xf32, #tpu.memory_space<vmem>>) dst(%dma_wait3A_79 : memref<128x64xf32, #tpu.memory_space<vmem_shared>>)
      tpu.yield
    }) : () -> ()
    %add3A_23 = arith.constant 384 : i32
    %add3A_24 = arith.addi %multiple_of3A, %add3A_23 : i32
    "tpu.region"() ({
      %run_scoped3A = tpu.sem_alloc : memref<!tpu.dma_semaphore, #tpu.memory_space<semaphore_mem>>
      %dma_start3A_72 = arith.constant 0 : i32
      %dma_start3A_73 = tpu.memref_slice %arg11[%add3A_24, %dma_start3A_72] : memref<10112x64xf32, #tpu.memory_space<vmem_shared>> -> memref<128x64xf32, #tpu.memory_space<vmem_shared>>
      %dma_start3A_74 = arith.constant 0 : i32
      %dma_start3A_75 = tpu.memref_slice %arg11[%add3A_24, %dma_start3A_74] : memref<10112x64xf32, #tpu.memory_space<vmem_shared>> -> memref<128x64xf32, #tpu.memory_space<vmem_shared>>
      tpu.enqueue_dma source(%arg10 : memref<128x64xf32, #tpu.memory_space<vmem>>) target(%dma_start3A_75 : memref<128x64xf32, #tpu.memory_space<vmem_shared>>) target_semaphore(%run_scoped3A : memref<!tpu.dma_semaphore, #tpu.memory_space<semaphore_mem>>)
      %dma_wait3A_76 = arith.constant 0 : i32
      %dma_wait3A_77 = tpu.memref_slice %arg11[%add3A_24, %dma_wait3A_76] : memref<10112x64xf32, #tpu.memory_space<vmem_shared>> -> memref<128x64xf32, #tpu.memory_space<vmem_shared>>
      %dma_wait3A_78 = arith.constant 0 : i32
      %dma_wait3A_79 = tpu.memref_slice %arg11[%add3A_24, %dma_wait3A_78] : memref<10112x64xf32, #tpu.memory_space<vmem_shared>> -> memref<128x64xf32, #tpu.memory_space<vmem_shared>>
      tpu.wait_dma2 semaphore(%run_scoped3A : memref<!tpu.dma_semaphore, #tpu.memory_space<semaphore_mem>>) src(%arg10 : memref<128x64xf32, #tpu.memory_space<vmem>>) dst(%dma_wait3A_79 : memref<128x64xf32, #tpu.memory_space<vmem_shared>>)
      tpu.yield
    }) : () -> ()
    %add3A_25 = arith.constant 512 : i32
    %add3A_26 = arith.addi %multiple_of3A, %add3A_25 : i32
    "tpu.region"() ({
      %run_scoped3A = tpu.sem_alloc : memref<!tpu.dma_semaphore, #tpu.memory_space<semaphore_mem>>
      %dma_start3A_72 = arith.constant 0 : i32
      %dma_start3A_73 = arith.constant 0 : i32
      %dma_start3A_74 = tpu.memref_slice %arg10[%dma_start3A_72, %dma_start3A_73] : memref<128x64xf32, #tpu.memory_space<vmem>> -> memref<120x64xf32, #tpu.memory_space<vmem>>
      %dma_start3A_75 = arith.constant 0 : i32
      %dma_start3A_76 = tpu.memref_slice %arg11[%add3A_26, %dma_start3A_75] : memref<10112x64xf32, #tpu.memory_space<vmem_shared>> -> memref<120x64xf32, #tpu.memory_space<vmem_shared>>
      %dma_start3A_77 = arith.constant 0 : i32
      %dma_start3A_78 = tpu.memref_slice %arg11[%add3A_26, %dma_start3A_77] : memref<10112x64xf32, #tpu.memory_space<vmem_shared>> -> memref<120x64xf32, #tpu.memory_space<vmem_shared>>
      %dma_start3A_79 = arith.constant 0 : i32
      %dma_start3A_80 = arith.constant 0 : i32
      %dma_start3A_81 = tpu.memref_slice %arg10[%dma_start3A_79, %dma_start3A_80] : memref<128x64xf32, #tpu.memory_space<vmem>> -> memref<120x64xf32, #tpu.memory_space<vmem>>
      tpu.enqueue_dma source(%dma_start3A_81 : memref<120x64xf32, #tpu.memory_space<vmem>>) target(%dma_start3A_78 : memref<120x64xf32, #tpu.memory_space<vmem_shared>>) target_semaphore(%run_scoped3A : memref<!tpu.dma_semaphore, #tpu.memory_space<semaphore_mem>>)
      %dma_wait3A_82 = arith.constant 0 : i32
      %dma_wait3A_83 = arith.constant 0 : i32
      %dma_wait3A_84 = tpu.memref_slice %arg10[%dma_wait3A_82, %dma_wait3A_83] : memref<128x64xf32, #tpu.memory_space<vmem>> -> memref<120x64xf32, #tpu.memory_space<vmem>>
      %dma_wait3A_85 = arith.constant 0 : i32
      %dma_wait3A_86 = tpu.memref_slice %arg11[%add3A_26, %dma_wait3A_85] : memref<10112x64xf32, #tpu.memory_space<vmem_shared>> -> memref<120x64xf32, #tpu.memory_space<vmem_shared>>
      %dma_wait3A_87 = arith.constant 0 : i32
      %dma_wait3A_88 = tpu.memref_slice %arg11[%add3A_26, %dma_wait3A_87] : memref<10112x64xf32, #tpu.memory_space<vmem_shared>> -> memref<120x64xf32, #tpu.memory_space<vmem_shared>>
      %dma_wait3A_89 = arith.constant 0 : i32
      %dma_wait3A_90 = arith.constant 0 : i32
      %dma_wait3A_91 = tpu.memref_slice %arg10[%dma_wait3A_89, %dma_wait3A_90] : memref<128x64xf32, #tpu.memory_space<vmem>> -> memref<120x64xf32, #tpu.memory_space<vmem>>
      tpu.wait_dma2 semaphore(%run_scoped3A : memref<!tpu.dma_semaphore, #tpu.memory_space<semaphore_mem>>) src(%dma_wait3A_91 : memref<120x64xf32, #tpu.memory_space<vmem>>) dst(%dma_wait3A_88 : memref<120x64xf32, #tpu.memory_space<vmem_shared>>)
      tpu.yield
    }) : () -> ()
    %dma_wait3A = tpu.memref_slice %arg3[%multiple_of3A_5] : memref<640000xi32, #tpu.memory_space<hbm>> -> memref<10000xi32, #tpu.memory_space<hbm>>
    %dma_wait3A_27 = tpu.memref_slice %arg3[%multiple_of3A_5] : memref<640000xi32, #tpu.memory_space<hbm>> -> memref<10000xi32, #tpu.memory_space<hbm>>
    tpu.wait_dma2 semaphore(%arg12 : memref<!tpu.dma_semaphore, #tpu.memory_space<semaphore_mem>>) src(%dma_wait3A_27 : memref<10000xi32, #tpu.memory_space<hbm>>) dst(%arg5 : memref<10000xi32, #tpu.memory_space<vmem>>)
    %dma_wait3A_28 = tpu.memref_slice %arg3[%multiple_of3A_5] : memref<640000xi32, #tpu.memory_space<hbm>> -> memref<10000xi32, #tpu.memory_space<hbm>>
    %dma_wait3A_29 = tpu.memref_slice %arg3[%multiple_of3A_5] : memref<640000xi32, #tpu.memory_space<hbm>> -> memref<10000xi32, #tpu.memory_space<hbm>>
    tpu.wait_dma2 semaphore(%arg13 : memref<!tpu.dma_semaphore, #tpu.memory_space<semaphore_mem>>) src(%dma_wait3A_29 : memref<10000xi32, #tpu.memory_space<hbm>>) dst(%arg6 : memref<10000xi32, #tpu.memory_space<vmem>>)
    %barrier3A = arith.constant 0 : index
    tpu.barrier barrier_id(%barrier3A)
    %dma_start3A_30 = arith.constant 0 : i32
    %dma_start3A_31 = tpu.memref_slice %arg5[%dma_start3A_30] : memref<10000xi32, #tpu.memory_space<vmem>> -> memref<128xi32, #tpu.memory_space<vmem>>
    %dma_start3A_32 = arith.constant 0 : i32
    %dma_start3A_33 = arith.constant 0 : i32
    %dma_start3A_34 = tpu.memref_slice %arg2[%dma_start3A_32, %dma_start3A_33] : memref<10000x64xf32, #tpu.memory_space<hbm>> -> memref<10000x64xf32, #tpu.memory_space<hbm>>
    tpu.enqueue_indirect_dma source(%dma_start3A_34 : memref<10000x64xf32, #tpu.memory_space<hbm>>) target(%arg7 : memref<128x64xf32, #tpu.memory_space<vmem>>) offsets(%dma_start3A_31 : memref<128xi32, #tpu.memory_space<vmem>>) semaphore(%arg12 : memref<!tpu.dma_semaphore, #tpu.memory_space<semaphore_mem>>)
    %dma_start3A_35 = arith.constant 128 : i32
    %dma_start3A_36 = tpu.memref_slice %arg5[%dma_start3A_35] : memref<10000xi32, #tpu.memory_space<vmem>> -> memref<128xi32, #tpu.memory_space<vmem>>
    %dma_start3A_37 = arith.constant 0 : i32
    %dma_start3A_38 = arith.constant 0 : i32
    %dma_start3A_39 = tpu.memref_slice %arg2[%dma_start3A_37, %dma_start3A_38] : memref<10000x64xf32, #tpu.memory_space<hbm>> -> memref<10000x64xf32, #tpu.memory_space<hbm>>
    tpu.enqueue_indirect_dma source(%dma_start3A_39 : memref<10000x64xf32, #tpu.memory_space<hbm>>) target(%arg8 : memref<128x64xf32, #tpu.memory_space<vmem>>) offsets(%dma_start3A_36 : memref<128xi32, #tpu.memory_space<vmem>>) semaphore(%arg13 : memref<!tpu.dma_semaphore, #tpu.memory_space<semaphore_mem>>)
    %scan3A_40 = arith.constant 0 : i32
    %scan3A_41 = arith.constant 26 : i32
    %scan3A_42 = arith.addi %scan3A_40, %scan3A_41 : i32
    %scan3A_43 = arith.constant 1 : i32
    scf.for %scan3A_72 = %scan3A_40 to %scan3A_42 step %scan3A_43  : i32 {
      %mul3A_73 = arith.constant 1 : i32
      %mul3A_74 = arith.muli %scan3A_72, %mul3A_73 : i32
      %add3A_75 = arith.constant 0 : i32
      %add3A_76 = arith.addi %add3A_75, %mul3A_74 : i32
      %mul3A_77 = arith.constant 3 : i32
      %mul3A_78 = arith.muli %add3A_76, %mul3A_77 : i32
      %add3A_79 = arith.constant 2 : i32
      %add3A_80 = arith.addi %mul3A_78, %add3A_79 : i32
      %mul3A_81 = arith.constant 128 : i32
      %mul3A_82 = arith.muli %add3A_80, %mul3A_81 : i32
      %dma_start3A_83 = tpu.memref_slice %arg5[%mul3A_82] : memref<10000xi32, #tpu.memory_space<vmem>> -> memref<128xi32, #tpu.memory_space<vmem>>
      %dma_start3A_84 = arith.constant 0 : i32
      %dma_start3A_85 = arith.constant 0 : i32
      %dma_start3A_86 = tpu.memref_slice %arg2[%dma_start3A_84, %dma_start3A_85] : memref<10000x64xf32, #tpu.memory_space<hbm>> -> memref<10000x64xf32, #tpu.memory_space<hbm>>
      tpu.enqueue_indirect_dma source(%dma_start3A_86 : memref<10000x64xf32, #tpu.memory_space<hbm>>) target(%arg9 : memref<128x64xf32, #tpu.memory_space<vmem>>) offsets(%dma_start3A_83 : memref<128xi32, #tpu.memory_space<vmem>>) semaphore(%arg14 : memref<!tpu.dma_semaphore, #tpu.memory_space<semaphore_mem>>)
      %dma_wait3A_87 = arith.constant 0 : i32
      %dma_wait3A_88 = tpu.memref_slice %arg5[%dma_wait3A_87] : memref<10000xi32, #tpu.memory_space<vmem>> -> memref<128xi32, #tpu.memory_space<vmem>>
      %dma_wait3A_89 = arith.constant 0 : i32
      %dma_wait3A_90 = arith.constant 0 : i32
      %dma_wait3A_91 = tpu.memref_slice %arg2[%dma_wait3A_89, %dma_wait3A_90] : memref<10000x64xf32, #tpu.memory_space<hbm>> -> memref<10000x64xf32, #tpu.memory_space<hbm>>
      tpu.wait_indirect_dma semaphore(%arg12 : memref<!tpu.dma_semaphore, #tpu.memory_space<semaphore_mem>>) src(%dma_wait3A_91 : memref<10000x64xf32, #tpu.memory_space<hbm>>) dst(%arg7 : memref<128x64xf32, #tpu.memory_space<vmem>>)
      %mul3A_92 = arith.constant 128 : i32
      %mul3A_93 = arith.muli %mul3A_78, %mul3A_92 : i32
      "tpu.region"() ({
        %run_scoped3A = tpu.sem_alloc : memref<!tpu.dma_semaphore, #tpu.memory_space<semaphore_mem>>
        %dma_start3A_133 = tpu.memref_slice %arg6[%mul3A_93] : memref<10000xi32, #tpu.memory_space<vmem>> -> memref<128xi32, #tpu.memory_space<vmem>>
        %dma_start3A_134 = arith.constant 0 : i32
        %dma_start3A_135 = arith.constant 0 : i32
        %dma_start3A_136 = tpu.memref_slice %arg11[%dma_start3A_134, %dma_start3A_135] : memref<10112x64xf32, #tpu.memory_space<vmem_shared>> -> memref<10112x64xf32, #tpu.memory_space<vmem_shared>>
        tpu.enqueue_indirect_dma source(%arg7 : memref<128x64xf32, #tpu.memory_space<vmem>>) target(%dma_start3A_136 : memref<10112x64xf32, #tpu.memory_space<vmem_shared>>) offsets(%dma_start3A_133 : memref<128xi32, #tpu.memory_space<vmem>>) semaphore(%run_scoped3A : memref<!tpu.dma_semaphore, #tpu.memory_space<semaphore_mem>>) {add = true}
        %dma_wait3A_137 = tpu.memref_slice %arg6[%mul3A_93] : memref<10000xi32, #tpu.memory_space<vmem>> -> memref<128xi32, #tpu.memory_space<vmem>>
        %dma_wait3A_138 = arith.constant 0 : i32
        %dma_wait3A_139 = arith.constant 0 : i32
        %dma_wait3A_140 = tpu.memref_slice %arg11[%dma_wait3A_138, %dma_wait3A_139] : memref<10112x64xf32, #tpu.memory_space<vmem_shared>> -> memref<10112x64xf32, #tpu.memory_space<vmem_shared>>
        tpu.wait_indirect_dma semaphore(%run_scoped3A : memref<!tpu.dma_semaphore, #tpu.memory_space<semaphore_mem>>) src(%arg7 : memref<128x64xf32, #tpu.memory_space<vmem>>) dst(%dma_wait3A_140 : memref<10112x64xf32, #tpu.memory_space<vmem_shared>>)
        tpu.yield
      }) : () -> ()
      %add3A_94 = arith.constant 3 : i32
      %add3A_95 = arith.addi %mul3A_78, %add3A_94 : i32
      %mul3A_96 = arith.constant 128 : i32
      %mul3A_97 = arith.muli %add3A_95, %mul3A_96 : i32
      %min3A = arith.constant 9856 : i32
      %min3A_98 = arith.minsi %mul3A_97, %min3A : i32
      %multiple_of3A_99 = tpu.assume_multiple %min3A_98, 8 : i32
      %dma_start3A_100 = tpu.memref_slice %arg5[%multiple_of3A_99] : memref<10000xi32, #tpu.memory_space<vmem>> -> memref<128xi32, #tpu.memory_space<vmem>>
      %dma_start3A_101 = arith.constant 0 : i32
      %dma_start3A_102 = arith.constant 0 : i32
      %dma_start3A_103 = tpu.memref_slice %arg2[%dma_start3A_101, %dma_start3A_102] : memref<10000x64xf32, #tpu.memory_space<hbm>> -> memref<10000x64xf32, #tpu.memory_space<hbm>>
      tpu.enqueue_indirect_dma source(%dma_start3A_103 : memref<10000x64xf32, #tpu.memory_space<hbm>>) target(%arg7 : memref<128x64xf32, #tpu.memory_space<vmem>>) offsets(%dma_start3A_100 : memref<128xi32, #tpu.memory_space<vmem>>) semaphore(%arg12 : memref<!tpu.dma_semaphore, #tpu.memory_space<semaphore_mem>>)
      %dma_wait3A_104 = arith.constant 0 : i32
      %dma_wait3A_105 = tpu.memref_slice %arg5[%dma_wait3A_104] : memref<10000xi32, #tpu.memory_space<vmem>> -> memref<128xi32, #tpu.memory_space<vmem>>
      %dma_wait3A_106 = arith.constant 0 : i32
      %dma_wait3A_107 = arith.constant 0 : i32
      %dma_wait3A_108 = tpu.memref_slice %arg2[%dma_wait3A_106, %dma_wait3A_107] : memref<10000x64xf32, #tpu.memory_space<hbm>> -> memref<10000x64xf32, #tpu.memory_space<hbm>>
      tpu.wait_indirect_dma semaphore(%arg13 : memref<!tpu.dma_semaphore, #tpu.memory_space<semaphore_mem>>) src(%dma_wait3A_108 : memref<10000x64xf32, #tpu.memory_space<hbm>>) dst(%arg8 : memref<128x64xf32, #tpu.memory_space<vmem>>)
      %add3A_109 = arith.constant 1 : i32
      %add3A_110 = arith.addi %mul3A_78, %add3A_109 : i32
      %mul3A_111 = arith.constant 128 : i32
      %mul3A_112 = arith.muli %add3A_110, %mul3A_111 : i32
      "tpu.region"() ({
        %run_scoped3A = tpu.sem_alloc : memref<!tpu.dma_semaphore, #tpu.memory_space<semaphore_mem>>
        %dma_start3A_133 = tpu.memref_slice %arg6[%mul3A_112] : memref<10000xi32, #tpu.memory_space<vmem>> -> memref<128xi32, #tpu.memory_space<vmem>>
        %dma_start3A_134 = arith.constant 0 : i32
        %dma_start3A_135 = arith.constant 0 : i32
        %dma_start3A_136 = tpu.memref_slice %arg11[%dma_start3A_134, %dma_start3A_135] : memref<10112x64xf32, #tpu.memory_space<vmem_shared>> -> memref<10112x64xf32, #tpu.memory_space<vmem_shared>>
        tpu.enqueue_indirect_dma source(%arg8 : memref<128x64xf32, #tpu.memory_space<vmem>>) target(%dma_start3A_136 : memref<10112x64xf32, #tpu.memory_space<vmem_shared>>) offsets(%dma_start3A_133 : memref<128xi32, #tpu.memory_space<vmem>>) semaphore(%run_scoped3A : memref<!tpu.dma_semaphore, #tpu.memory_space<semaphore_mem>>) {add = true}
        %dma_wait3A_137 = tpu.memref_slice %arg6[%mul3A_112] : memref<10000xi32, #tpu.memory_space<vmem>> -> memref<128xi32, #tpu.memory_space<vmem>>
        %dma_wait3A_138 = arith.constant 0 : i32
        %dma_wait3A_139 = arith.constant 0 : i32
        %dma_wait3A_140 = tpu.memref_slice %arg11[%dma_wait3A_138, %dma_wait3A_139] : memref<10112x64xf32, #tpu.memory_space<vmem_shared>> -> memref<10112x64xf32, #tpu.memory_space<vmem_shared>>
        tpu.wait_indirect_dma semaphore(%run_scoped3A : memref<!tpu.dma_semaphore, #tpu.memory_space<semaphore_mem>>) src(%arg8 : memref<128x64xf32, #tpu.memory_space<vmem>>) dst(%dma_wait3A_140 : memref<10112x64xf32, #tpu.memory_space<vmem_shared>>)
        tpu.yield
      }) : () -> ()
      %add3A_113 = arith.constant 4 : i32
      %add3A_114 = arith.addi %mul3A_78, %add3A_113 : i32
      %mul3A_115 = arith.constant 128 : i32
      %mul3A_116 = arith.muli %add3A_114, %mul3A_115 : i32
      %min3A_117 = arith.constant 9856 : i32
      %min3A_118 = arith.minsi %mul3A_116, %min3A_117 : i32
      %multiple_of3A_119 = tpu.assume_multiple %min3A_118, 8 : i32
      %dma_start3A_120 = tpu.memref_slice %arg5[%multiple_of3A_119] : memref<10000xi32, #tpu.memory_space<vmem>> -> memref<128xi32, #tpu.memory_space<vmem>>
      %dma_start3A_121 = arith.constant 0 : i32
      %dma_start3A_122 = arith.constant 0 : i32
      %dma_start3A_123 = tpu.memref_slice %arg2[%dma_start3A_121, %dma_start3A_122] : memref<10000x64xf32, #tpu.memory_space<hbm>> -> memref<10000x64xf32, #tpu.memory_space<hbm>>
      tpu.enqueue_indirect_dma source(%dma_start3A_123 : memref<10000x64xf32, #tpu.memory_space<hbm>>) target(%arg8 : memref<128x64xf32, #tpu.memory_space<vmem>>) offsets(%dma_start3A_120 : memref<128xi32, #tpu.memory_space<vmem>>) semaphore(%arg13 : memref<!tpu.dma_semaphore, #tpu.memory_space<semaphore_mem>>)
      %dma_wait3A_124 = arith.constant 0 : i32
      %dma_wait3A_125 = tpu.memref_slice %arg5[%dma_wait3A_124] : memref<10000xi32, #tpu.memory_space<vmem>> -> memref<128xi32, #tpu.memory_space<vmem>>
      %dma_wait3A_126 = arith.constant 0 : i32
      %dma_wait3A_127 = arith.constant 0 : i32
      %dma_wait3A_128 = tpu.memref_slice %arg2[%dma_wait3A_126, %dma_wait3A_127] : memref<10000x64xf32, #tpu.memory_space<hbm>> -> memref<10000x64xf32, #tpu.memory_space<hbm>>
      tpu.wait_indirect_dma semaphore(%arg14 : memref<!tpu.dma_semaphore, #tpu.memory_space<semaphore_mem>>) src(%dma_wait3A_128 : memref<10000x64xf32, #tpu.memory_space<hbm>>) dst(%arg9 : memref<128x64xf32, #tpu.memory_space<vmem>>)
      %add3A_129 = arith.constant 2 : i32
      %add3A_130 = arith.addi %mul3A_78, %add3A_129 : i32
      %mul3A_131 = arith.constant 128 : i32
      %mul3A_132 = arith.muli %add3A_130, %mul3A_131 : i32
      "tpu.region"() ({
        %run_scoped3A = tpu.sem_alloc : memref<!tpu.dma_semaphore, #tpu.memory_space<semaphore_mem>>
        %dma_start3A_133 = tpu.memref_slice %arg6[%mul3A_132] : memref<10000xi32, #tpu.memory_space<vmem>> -> memref<128xi32, #tpu.memory_space<vmem>>
        %dma_start3A_134 = arith.constant 0 : i32
        %dma_start3A_135 = arith.constant 0 : i32
        %dma_start3A_136 = tpu.memref_slice %arg11[%dma_start3A_134, %dma_start3A_135] : memref<10112x64xf32, #tpu.memory_space<vmem_shared>> -> memref<10112x64xf32, #tpu.memory_space<vmem_shared>>
        tpu.enqueue_indirect_dma source(%arg9 : memref<128x64xf32, #tpu.memory_space<vmem>>) target(%dma_start3A_136 : memref<10112x64xf32, #tpu.memory_space<vmem_shared>>) offsets(%dma_start3A_133 : memref<128xi32, #tpu.memory_space<vmem>>) semaphore(%run_scoped3A : memref<!tpu.dma_semaphore, #tpu.memory_space<semaphore_mem>>) {add = true}
        %dma_wait3A_137 = tpu.memref_slice %arg6[%mul3A_132] : memref<10000xi32, #tpu.memory_space<vmem>> -> memref<128xi32, #tpu.memory_space<vmem>>
        %dma_wait3A_138 = arith.constant 0 : i32
        %dma_wait3A_139 = arith.constant 0 : i32
        %dma_wait3A_140 = tpu.memref_slice %arg11[%dma_wait3A_138, %dma_wait3A_139] : memref<10112x64xf32, #tpu.memory_space<vmem_shared>> -> memref<10112x64xf32, #tpu.memory_space<vmem_shared>>
        tpu.wait_indirect_dma semaphore(%run_scoped3A : memref<!tpu.dma_semaphore, #tpu.memory_space<semaphore_mem>>) src(%arg9 : memref<128x64xf32, #tpu.memory_space<vmem>>) dst(%dma_wait3A_140 : memref<10112x64xf32, #tpu.memory_space<vmem_shared>>)
        tpu.yield
      }) : () -> ()
    }
    %scan3A_44 = arith.constant 26 : i32
    %dma_wait3A_45 = arith.constant 0 : i32
    %dma_wait3A_46 = tpu.memref_slice %arg5[%dma_wait3A_45] : memref<10000xi32, #tpu.memory_space<vmem>> -> memref<128xi32, #tpu.memory_space<vmem>>
    %dma_wait3A_47 = arith.constant 0 : i32
    %dma_wait3A_48 = arith.constant 0 : i32
    %dma_wait3A_49 = tpu.memref_slice %arg2[%dma_wait3A_47, %dma_wait3A_48] : memref<10000x64xf32, #tpu.memory_space<hbm>> -> memref<10000x64xf32, #tpu.memory_space<hbm>>
    tpu.wait_indirect_dma semaphore(%arg13 : memref<!tpu.dma_semaphore, #tpu.memory_space<semaphore_mem>>) src(%dma_wait3A_49 : memref<10000x64xf32, #tpu.memory_space<hbm>>) dst(%arg8 : memref<128x64xf32, #tpu.memory_space<vmem>>)
    %dma_wait3A_50 = arith.constant 0 : i32
    %dma_wait3A_51 = tpu.memref_slice %arg5[%dma_wait3A_50] : memref<10000xi32, #tpu.memory_space<vmem>> -> memref<128xi32, #tpu.memory_space<vmem>>
    %dma_wait3A_52 = arith.constant 0 : i32
    %dma_wait3A_53 = arith.constant 0 : i32
    %dma_wait3A_54 = tpu.memref_slice %arg2[%dma_wait3A_52, %dma_wait3A_53] : memref<10000x64xf32, #tpu.memory_space<hbm>> -> memref<10000x64xf32, #tpu.memory_space<hbm>>
    tpu.wait_indirect_dma semaphore(%arg12 : memref<!tpu.dma_semaphore, #tpu.memory_space<semaphore_mem>>) src(%dma_wait3A_54 : memref<10000x64xf32, #tpu.memory_space<hbm>>) dst(%arg7 : memref<128x64xf32, #tpu.memory_space<vmem>>)
    %dma_start3A_55 = arith.constant 0 : i32
    %dma_start3A_56 = arith.constant 0 : i32
    %dma_start3A_57 = tpu.memref_slice %arg7[%dma_start3A_55, %dma_start3A_56] : memref<128x64xf32, #tpu.memory_space<vmem>> -> memref<16x64xf32, #tpu.memory_space<vmem>>
    %dma_start3A_58 = arith.constant 9984 : i32
    %dma_start3A_59 = tpu.memref_slice %arg5[%dma_start3A_58] : memref<10000xi32, #tpu.memory_space<vmem>> -> memref<16xi32, #tpu.memory_space<vmem>>
    %dma_start3A_60 = arith.constant 0 : i32
    %dma_start3A_61 = arith.constant 0 : i32
    %dma_start3A_62 = tpu.memref_slice %arg2[%dma_start3A_60, %dma_start3A_61] : memref<10000x64xf32, #tpu.memory_space<hbm>> -> memref<10000x64xf32, #tpu.memory_space<hbm>>
    tpu.enqueue_indirect_dma source(%dma_start3A_62 : memref<10000x64xf32, #tpu.memory_space<hbm>>) target(%dma_start3A_57 : memref<16x64xf32, #tpu.memory_space<vmem>>) offsets(%dma_start3A_59 : memref<16xi32, #tpu.memory_space<vmem>>) semaphore(%arg12 : memref<!tpu.dma_semaphore, #tpu.memory_space<semaphore_mem>>)
    %dma_wait3A_63 = arith.constant 0 : i32
    %dma_wait3A_64 = arith.constant 0 : i32
    %dma_wait3A_65 = tpu.memref_slice %arg7[%dma_wait3A_63, %dma_wait3A_64] : memref<128x64xf32, #tpu.memory_space<vmem>> -> memref<16x64xf32, #tpu.memory_space<vmem>>
    %dma_wait3A_66 = arith.constant 9984 : i32
    %dma_wait3A_67 = tpu.memref_slice %arg5[%dma_wait3A_66] : memref<10000xi32, #tpu.memory_space<vmem>> -> memref<16xi32, #tpu.memory_space<vmem>>
    %dma_wait3A_68 = arith.constant 0 : i32
    %dma_wait3A_69 = arith.constant 0 : i32
    %dma_wait3A_70 = tpu.memref_slice %arg2[%dma_wait3A_68, %dma_wait3A_69] : memref<10000x64xf32, #tpu.memory_space<hbm>> -> memref<10000x64xf32, #tpu.memory_space<hbm>>
    tpu.wait_indirect_dma semaphore(%arg12 : memref<!tpu.dma_semaphore, #tpu.memory_space<semaphore_mem>>) src(%dma_wait3A_70 : memref<10000x64xf32, #tpu.memory_space<hbm>>) dst(%dma_wait3A_65 : memref<16x64xf32, #tpu.memory_space<vmem>>)
    "tpu.region"() ({
      %run_scoped3A = tpu.sem_alloc : memref<!tpu.dma_semaphore, #tpu.memory_space<semaphore_mem>>
      %dma_start3A_72 = arith.constant 0 : i32
      %dma_start3A_73 = arith.constant 0 : i32
      %dma_start3A_74 = tpu.memref_slice %arg7[%dma_start3A_72, %dma_start3A_73] : memref<128x64xf32, #tpu.memory_space<vmem>> -> memref<16x64xf32, #tpu.memory_space<vmem>>
      %dma_start3A_75 = arith.constant 9984 : i32
      %dma_start3A_76 = tpu.memref_slice %arg6[%dma_start3A_75] : memref<10000xi32, #tpu.memory_space<vmem>> -> memref<16xi32, #tpu.memory_space<vmem>>
      %dma_start3A_77 = arith.constant 0 : i32
      %dma_start3A_78 = arith.constant 0 : i32
      %dma_start3A_79 = tpu.memref_slice %arg11[%dma_start3A_77, %dma_start3A_78] : memref<10112x64xf32, #tpu.memory_space<vmem_shared>> -> memref<10112x64xf32, #tpu.memory_space<vmem_shared>>
      tpu.enqueue_indirect_dma source(%dma_start3A_74 : memref<16x64xf32, #tpu.memory_space<vmem>>) target(%dma_start3A_79 : memref<10112x64xf32, #tpu.memory_space<vmem_shared>>) offsets(%dma_start3A_76 : memref<16xi32, #tpu.memory_space<vmem>>) semaphore(%run_scoped3A : memref<!tpu.dma_semaphore, #tpu.memory_space<semaphore_mem>>) {add = true}
      %dma_wait3A_80 = arith.constant 0 : i32
      %dma_wait3A_81 = arith.constant 0 : i32
      %dma_wait3A_82 = tpu.memref_slice %arg7[%dma_wait3A_80, %dma_wait3A_81] : memref<128x64xf32, #tpu.memory_space<vmem>> -> memref<16x64xf32, #tpu.memory_space<vmem>>
      %dma_wait3A_83 = arith.constant 9984 : i32
      %dma_wait3A_84 = tpu.memref_slice %arg6[%dma_wait3A_83] : memref<10000xi32, #tpu.memory_space<vmem>> -> memref<16xi32, #tpu.memory_space<vmem>>
      %dma_wait3A_85 = arith.constant 0 : i32
      %dma_wait3A_86 = arith.constant 0 : i32
      %dma_wait3A_87 = tpu.memref_slice %arg11[%dma_wait3A_85, %dma_wait3A_86] : memref<10112x64xf32, #tpu.memory_space<vmem_shared>> -> memref<10112x64xf32, #tpu.memory_space<vmem_shared>>
      tpu.wait_indirect_dma semaphore(%run_scoped3A : memref<!tpu.dma_semaphore, #tpu.memory_space<semaphore_mem>>) src(%dma_wait3A_82 : memref<16x64xf32, #tpu.memory_space<vmem>>) dst(%dma_wait3A_87 : memref<10112x64xf32, #tpu.memory_space<vmem_shared>>)
      tpu.yield
    }) : () -> ()
    %barrier3A_71 = arith.constant 0 : index
    tpu.barrier barrier_id(%barrier3A_71)
    "tpu.region"() ({
      %run_scoped3A = tpu.sem_alloc : memref<!tpu.dma_semaphore, #tpu.memory_space<semaphore_mem>>
      %dma_start3A_72 = arith.constant 0 : i32
      %dma_start3A_73 = tpu.memref_slice %arg4[%arg0, %multiple_of3A, %dma_start3A_72] : memref<2x10112x64xf32, #tpu.memory_space<hbm>> -> memref<1x632x64xf32, #tpu.memory_space<hbm>>
      %dma_start3A_74 = tpu.memref_squeeze %dma_start3A_73 : memref<1x632x64xf32, #tpu.memory_space<hbm>> -> memref<632x64xf32, #tpu.memory_space<hbm>>
      %dma_start3A_75 = arith.constant 0 : i32
      %dma_start3A_76 = tpu.memref_slice %arg11[%multiple_of3A, %dma_start3A_75] : memref<10112x64xf32, #tpu.memory_space<vmem_shared>> -> memref<632x64xf32, #tpu.memory_space<vmem_shared>>
      tpu.enqueue_dma source(%dma_start3A_76 : memref<632x64xf32, #tpu.memory_space<vmem_shared>>) target(%dma_start3A_74 : memref<632x64xf32, #tpu.memory_space<hbm>>) target_semaphore(%run_scoped3A : memref<!tpu.dma_semaphore, #tpu.memory_space<semaphore_mem>>)
      %dma_wait3A_77 = arith.constant 0 : i32
      %dma_wait3A_78 = tpu.memref_slice %arg4[%arg0, %multiple_of3A, %dma_wait3A_77] : memref<2x10112x64xf32, #tpu.memory_space<hbm>> -> memref<1x632x64xf32, #tpu.memory_space<hbm>>
      %dma_wait3A_79 = tpu.memref_squeeze %dma_wait3A_78 : memref<1x632x64xf32, #tpu.memory_space<hbm>> -> memref<632x64xf32, #tpu.memory_space<hbm>>
      %dma_wait3A_80 = arith.constant 0 : i32
      %dma_wait3A_81 = tpu.memref_slice %arg11[%multiple_of3A, %dma_wait3A_80] : memref<10112x64xf32, #tpu.memory_space<vmem_shared>> -> memref<632x64xf32, #tpu.memory_space<vmem_shared>>
      tpu.wait_dma2 semaphore(%run_scoped3A : memref<!tpu.dma_semaphore, #tpu.memory_space<semaphore_mem>>) src(%dma_wait3A_81 : memref<632x64xf32, #tpu.memory_space<vmem_shared>>) dst(%dma_wait3A_79 : memref<632x64xf32, #tpu.memory_space<hbm>>)
      tpu.yield
    }) : () -> ()
    return
  }
}

module attributes {stable_mosaic.version = 14 : i64} {
  func.func @_mm_body(%arg0: memref<10000x128xf32, #tpu.memory_space<vmem>>, %arg1: memref<128x64xf32, #tpu.memory_space<vmem>>, %arg2: memref<2x10112x16xf32, #tpu.memory_space<vmem>>, %arg3: memref<10000x64xf32, #tpu.memory_space<vmem>>, %arg4: memref<10000x1xf32, #tpu.memory_space<vmem>>) attributes {dimension_semantics = [], scalar_prefetch = 0 : i64, scratch_operands = 0 : i64, tpu.core_type = #tpu.core_type<tc>} {
    %get3A = arith.constant 0 : index
    %get3A_0 = arith.constant 0 : index
    %get3A_1 = arith.constant 0 : index
    %get3A_2 = vector.load %arg2[%get3A, %get3A_0, %get3A_1] : memref<2x10112x16xf32, #tpu.memory_space<vmem>>, vector<1x10000x1xf32>
    %get3A_3 = vector.shape_cast %get3A_2 : vector<1x10000x1xf32> to vector<10000xf32>
    %get3A_4 = arith.constant 1 : index
    %get3A_5 = arith.constant 0 : index
    %get3A_6 = arith.constant 0 : index
    %get3A_7 = vector.load %arg2[%get3A_4, %get3A_5, %get3A_6] : memref<2x10112x16xf32, #tpu.memory_space<vmem>>, vector<1x10000x1xf32>
    %get3A_8 = vector.shape_cast %get3A_7 : vector<1x10000x1xf32> to vector<10000xf32>
    %add3A = arith.addf %get3A_3, %get3A_8 : vector<10000xf32>
    %add3A_9 = arith.constant 1.000000e+00 : f32
    %add3A_10 = vector.broadcast %add3A_9 : f32 to vector<10000xf32>
    %add3A_11 = arith.addf %add3A, %add3A_10 : vector<10000xf32>
    %rsqrt3A = math.rsqrt %add3A_11 : vector<10000xf32>
    %get3A_12 = arith.constant 0 : index
    %get3A_13 = arith.constant 0 : index
    %get3A_14 = vector.load %arg0[%get3A_12, %get3A_13] : memref<10000x128xf32, #tpu.memory_space<vmem>>, vector<10000x128xf32>
    %get3A_15 = arith.constant 0 : index
    %get3A_16 = arith.constant 0 : index
    %get3A_17 = vector.load %arg1[%get3A_15, %get3A_16] : memref<128x64xf32, #tpu.memory_space<vmem>>, vector<128x64xf32>
    %dot_general3A = arith.constant dense<0.000000e+00> : vector<10000x64xf32>
    %dot_general3A_18 = tpu.matmul %get3A_14, %get3A_17, %dot_general3A {dimension_numbers = #tpu.dot_dimension_numbers<[1], [0], [0], [1], [0, 0, 1, 1], [], []>, transpose_lhs_hint = false} : vector<10000x128xf32>, vector<128x64xf32>, vector<10000x64xf32> -> vector<10000x64xf32>
    %broadcast_in_dim3A = vector.shape_cast %rsqrt3A : vector<10000xf32> to vector<10000x1xf32>
    %mul3A = vector.broadcast %broadcast_in_dim3A : vector<10000x1xf32> to vector<10000x64xf32>
    %mul3A_19 = arith.mulf %dot_general3A_18, %mul3A : vector<10000x64xf32>
    %swap3A = arith.constant 0 : index
    %swap3A_20 = arith.constant 0 : index
    %swap3A_21 = vector.load %arg3[%swap3A, %swap3A_20] : memref<10000x64xf32, #tpu.memory_space<vmem>>, vector<10000x64xf32>
    tpu.vector_store %arg3[%swap3A, %swap3A_20], %mul3A_19 {strides = array<i32>} : memref<10000x64xf32, #tpu.memory_space<vmem>>, vector<10000x64xf32>,
    %broadcast_in_dim3A_22 = vector.shape_cast %rsqrt3A : vector<10000xf32> to vector<10000x1xf32>
    %swap3A_23 = arith.constant 0 : index
    %swap3A_24 = arith.constant 0 : index
    %swap3A_25 = vector.load %arg4[%swap3A_23, %swap3A_24] : memref<10000x1xf32, #tpu.memory_space<vmem>>, vector<10000x1xf32>
    tpu.vector_store %arg4[%swap3A_23, %swap3A_24], %broadcast_in_dim3A_22 {strides = array<i32>} : memref<10000x1xf32, #tpu.memory_space<vmem>>, vector<10000x1xf32>,
    return
  }
}

module attributes {stable_mosaic.version = 14 : i64} {
  func.func @_head_body(%arg0: memref<2x10112x64xf32, #tpu.memory_space<vmem>>, %arg1: memref<10000x64xf32, #tpu.memory_space<vmem>>, %arg2: memref<10000x1xf32, #tpu.memory_space<vmem>>, %arg3: memref<1x64xf32, #tpu.memory_space<vmem>>, %arg4: memref<64x32xf32, #tpu.memory_space<vmem>>, %arg5: memref<1x32xf32, #tpu.memory_space<vmem>>, %arg6: memref<32x16xf32, #tpu.memory_space<vmem>>, %arg7: memref<1x16xf32, #tpu.memory_space<vmem>>, %arg8: memref<16x4xf32, #tpu.memory_space<vmem>>, %arg9: memref<1x4xf32, #tpu.memory_space<vmem>>, %arg10: memref<10000x4xf32, #tpu.memory_space<vmem>>) attributes {dimension_semantics = [], scalar_prefetch = 0 : i64, scratch_operands = 0 : i64, tpu.core_type = #tpu.core_type<tc>} {
    %get3A = arith.constant 0 : index
    %get3A_0 = arith.constant 0 : index
    %get3A_1 = arith.constant 0 : index
    %get3A_2 = vector.load %arg0[%get3A, %get3A_0, %get3A_1] : memref<2x10112x64xf32, #tpu.memory_space<vmem>>, vector<1x10000x64xf32>
    %get3A_3 = vector.shape_cast %get3A_2 : vector<1x10000x64xf32> to vector<10000x64xf32>
    %get3A_4 = arith.constant 1 : index
    %get3A_5 = arith.constant 0 : index
    %get3A_6 = arith.constant 0 : index
    %get3A_7 = vector.load %arg0[%get3A_4, %get3A_5, %get3A_6] : memref<2x10112x64xf32, #tpu.memory_space<vmem>>, vector<1x10000x64xf32>
    %get3A_8 = vector.shape_cast %get3A_7 : vector<1x10000x64xf32> to vector<10000x64xf32>
    %add3A = arith.addf %get3A_3, %get3A_8 : vector<10000x64xf32>
    %get3A_9 = arith.constant 0 : index
    %get3A_10 = arith.constant 0 : index
    %get3A_11 = vector.load %arg1[%get3A_9, %get3A_10] : memref<10000x64xf32, #tpu.memory_space<vmem>>, vector<10000x64xf32>
    %add3A_12 = arith.addf %add3A, %get3A_11 : vector<10000x64xf32>
    %get3A_13 = arith.constant 0 : index
    %get3A_14 = arith.constant 0 : index
    %get3A_15 = vector.load %arg2[%get3A_13, %get3A_14] : memref<10000x1xf32, #tpu.memory_space<vmem>>, vector<10000x1xf32>
    %mul3A = vector.broadcast %get3A_15 : vector<10000x1xf32> to vector<10000x64xf32>
    %mul3A_16 = arith.mulf %add3A_12, %mul3A : vector<10000x64xf32>
    %get3A_17 = arith.constant 0 : index
    %get3A_18 = arith.constant 0 : index
    %get3A_19 = vector.load %arg3[%get3A_17, %get3A_18] : memref<1x64xf32, #tpu.memory_space<vmem>>, vector<1x64xf32>
    %add3A_20 = vector.broadcast %get3A_19 : vector<1x64xf32> to vector<10000x64xf32>
    %add3A_21 = arith.addf %mul3A_16, %add3A_20 : vector<10000x64xf32>
    %max3A = arith.constant 0.000000e+00 : f32
    %max3A_22 = vector.broadcast %max3A : f32 to vector<10000x64xf32>
    %max3A_23 = arith.maximumf %add3A_21, %max3A_22 : vector<10000x64xf32>
    %get3A_24 = arith.constant 0 : index
    %get3A_25 = arith.constant 0 : index
    %get3A_26 = vector.load %arg4[%get3A_24, %get3A_25] : memref<64x32xf32, #tpu.memory_space<vmem>>, vector<64x32xf32>
    %dot_general3A = arith.constant dense<0.000000e+00> : vector<10000x32xf32>
    %dot_general3A_27 = tpu.matmul %max3A_23, %get3A_26, %dot_general3A {dimension_numbers = #tpu.dot_dimension_numbers<[1], [0], [0], [1], [0, 0, 1, 1], [], []>, transpose_lhs_hint = false} : vector<10000x64xf32>, vector<64x32xf32>, vector<10000x32xf32> -> vector<10000x32xf32>
    %get3A_28 = arith.constant 0 : index
    %get3A_29 = arith.constant 0 : index
    %get3A_30 = vector.load %arg5[%get3A_28, %get3A_29] : memref<1x32xf32, #tpu.memory_space<vmem>>, vector<1x32xf32>
    %add3A_31 = vector.broadcast %get3A_30 : vector<1x32xf32> to vector<10000x32xf32>
    %add3A_32 = arith.addf %dot_general3A_27, %add3A_31 : vector<10000x32xf32>
    %max3A_33 = arith.constant 0.000000e+00 : f32
    %max3A_34 = vector.broadcast %max3A_33 : f32 to vector<10000x32xf32>
    %max3A_35 = arith.maximumf %add3A_32, %max3A_34 : vector<10000x32xf32>
    %get3A_36 = arith.constant 0 : index
    %get3A_37 = arith.constant 0 : index
    %get3A_38 = vector.load %arg6[%get3A_36, %get3A_37] : memref<32x16xf32, #tpu.memory_space<vmem>>, vector<32x16xf32>
    %dot_general3A_39 = arith.constant dense<0.000000e+00> : vector<10000x16xf32>
    %dot_general3A_40 = tpu.matmul %max3A_35, %get3A_38, %dot_general3A_39 {dimension_numbers = #tpu.dot_dimension_numbers<[1], [0], [0], [1], [0, 0, 1, 1], [], []>, transpose_lhs_hint = false} : vector<10000x32xf32>, vector<32x16xf32>, vector<10000x16xf32> -> vector<10000x16xf32>
    %get3A_41 = arith.constant 0 : index
    %get3A_42 = arith.constant 0 : index
    %get3A_43 = vector.load %arg7[%get3A_41, %get3A_42] : memref<1x16xf32, #tpu.memory_space<vmem>>, vector<1x16xf32>
    %add3A_44 = vector.broadcast %get3A_43 : vector<1x16xf32> to vector<10000x16xf32>
    %add3A_45 = arith.addf %dot_general3A_40, %add3A_44 : vector<10000x16xf32>
    %max3A_46 = arith.constant 0.000000e+00 : f32
    %max3A_47 = vector.broadcast %max3A_46 : f32 to vector<10000x16xf32>
    %max3A_48 = arith.maximumf %add3A_45, %max3A_47 : vector<10000x16xf32>
    %get3A_49 = arith.constant 0 : index
    %get3A_50 = arith.constant 0 : index
    %get3A_51 = vector.load %arg8[%get3A_49, %get3A_50] : memref<16x4xf32, #tpu.memory_space<vmem>>, vector<16x4xf32>
    %dot_general3A_52 = arith.constant dense<0.000000e+00> : vector<10000x4xf32>
    %dot_general3A_53 = tpu.matmul %max3A_48, %get3A_51, %dot_general3A_52 {dimension_numbers = #tpu.dot_dimension_numbers<[1], [0], [0], [1], [0, 0, 1, 1], [], []>, transpose_lhs_hint = false} : vector<10000x16xf32>, vector<16x4xf32>, vector<10000x4xf32> -> vector<10000x4xf32>
    %get3A_54 = arith.constant 0 : index
    %get3A_55 = arith.constant 0 : index
    %get3A_56 = vector.load %arg9[%get3A_54, %get3A_55] : memref<1x4xf32, #tpu.memory_space<vmem>>, vector<1x4xf32>
    %add3A_57 = vector.broadcast %get3A_56 : vector<1x4xf32> to vector<10000x4xf32>
    %add3A_58 = arith.addf %dot_general3A_53, %add3A_57 : vector<10000x4xf32>
    %reduce_max3A = arith.constant dense<0xFF800000> : vector<10000xf32>
    %reduce_max3A_59 = vector.multi_reduction <maximumf>, %add3A_58, %reduce_max3A [1] : vector<10000x4xf32> to vector<10000xf32>
    %broadcast_in_dim3A = vector.shape_cast %reduce_max3A_59 : vector<10000xf32> to vector<10000x1xf32>
    %sub3A = vector.broadcast %broadcast_in_dim3A : vector<10000x1xf32> to vector<10000x4xf32>
    %sub3A_60 = arith.subf %add3A_58, %sub3A : vector<10000x4xf32>
    %exp3A = math.exp %sub3A_60 : vector<10000x4xf32>
    %reduce_sum3A = arith.constant dense<0.000000e+00> : vector<10000xf32>
    %reduce_sum3A_61 = vector.multi_reduction <add>, %exp3A, %reduce_sum3A [1] : vector<10000x4xf32> to vector<10000xf32>
    %broadcast_in_dim3A_62 = vector.shape_cast %reduce_sum3A_61 : vector<10000xf32> to vector<10000x1xf32>
    %log3A = math.log %broadcast_in_dim3A_62 : vector<10000x1xf32>
    %sub3A_63 = vector.broadcast %broadcast_in_dim3A : vector<10000x1xf32> to vector<10000x4xf32>
    %sub3A_64 = arith.subf %add3A_58, %sub3A_63 : vector<10000x4xf32>
    %sub3A_65 = vector.broadcast %log3A : vector<10000x1xf32> to vector<10000x4xf32>
    %sub3A_66 = arith.subf %sub3A_64, %sub3A_65 : vector<10000x4xf32>
    %swap3A = arith.constant 0 : index
    %swap3A_67 = arith.constant 0 : index
    %swap3A_68 = vector.load %arg10[%swap3A, %swap3A_67] : memref<10000x4xf32, #tpu.memory_space<vmem>>, vector<10000x4xf32>
    tpu.vector_store %arg10[%swap3A, %swap3A_67], %sub3A_66 {strides = array<i32>} : memref<10000x4xf32, #tpu.memory_space<vmem>>, vector<10000x4xf32>,
    return
  }
}

</mosaic_0001>

<sc_bundles>
// kernel: kernel.6.cloned.1.call-start
scs
__scs_entry_jumppad:
0x0: {  	(pc) =	sbr.rel $0x88, $3  }
0x1: {  	(tag) =	ssettag $0x0;
	lr =	simm.s32 $0x1  }
0x2: {  	[smem:$0x3F97] =	sst lr;
	_ =	strace $0xD0000000  }
0x3: {  	_ = 	snop  }
0x4: {  	_ = 	snop  }
0x5: {  	_ = 	snop  }
0x6: {  	_ = 	snop  }
0x7: {  	_ = 	snop  }
__scs_overlays_trampoline_lowered:
0x8: {  	[smem:$0x3FA6] =	sst s0  }
0x9: {  	[smem:$0x3FA7] =	sst s1  }
0xa: {  	[smem:$0x3FA8] =	sst s2  }
0xb: {  	[smem:$0x3FA9] =	sst s3  }
0xc: {  	[smem:$0x3FAA] =	sst s4  }
0xd: {  	[smem:$0x3FAB] =	sst s5  }
0xe: {  	[smem:$0x3FAC] =	sst s6  }
0xf: {  	[smem:$0x3FAD] =	sst s7  }
0x10: {  	[smem:$0x3FAE] =	sst s8  }
0x11: {  	[smem:$0x3FAF] =	sst s9;
	s0 =	simm.s32 @!p0 $0x0  }
0x12: {  	s1 =	sld [smem:$0x3F95];
	s0 =	simm.s32 @p0 $0x1  }
0x13: {  	[smem:$0x3FB0] =	sst s0;
	s0 =	simm.s32 @!p1 $0x0  }
0x14: {  	s2 =	sld [smem:$0x3F94];
	s0 =	simm.s32 @p1 $0x1  }
0x15: {  	[smem:$0x3FB1] =	sst s0;
	s0 =	simm.s32 @!p2 $0x0  }
0x16: {  	s3 =	sld [smem:$0x3FDB];
	s0 =	simm.s32 @p2 $0x1  }
0x17: {  	s4 =	simm.s32 $0x1BF5;
	[smem:$0x3FB3] =	sst s0  }
0x18: {  	s0 =	sld [smem:$0x3F96];
	_ =	swait.ge [sflag:s4], $0x0  }
0x19: {  	s7 =	sld [smem:$0x3F97]  }
0x1a: {  	s8 =	sadd.s32 $0xFFFFE003, lr  }
0x1b: {  	s9 =	sadd.s32 $0xFFFFFEF7, lr;
	s5 =	simm.s32 $0xFFFFFFFF;
	p2 =	slt.u32 s8, $0xFFFFF086  }
0x1c: {  	p1 =	slt.u32 s9, $0xF7A;
	s5 =	simm.s32 @!p2 $0x0  }
0x1d: {  	s5 =	simm.s32 @p1 $0x1;
	p0 =	seq.s32 s7, s2  }
0x1e: {  	s7 =	smul.u32 @!p0 $0xF7A, s2;
	p2 =	seq.s32 @!p0 s5, $0x0  }
0x1f: {  	s9 =	smul.u32 $0xF7A, s1;
	s8 =	simm.s32 @!p0 $0x1BF5;
	p2 =	por !p2, p0  }
0x20: {  	[sflag:s8] =	ssyncset.s32 @!p0 $0xFFFFF086;
	s6 =	sadd.s32 @!p0 s3, s7;
	s7 =	simm.s32 @!p0 $0x108  }
0x21: {  	s3 =	sadd.s32 s3, s9;
	s6 =	sadd.s32 @!p0 $0x88, s6;
	s7 =	simm.s32 @p2 $0x1082  }
0x22: {  	[simem:s7], [sflag:s8] =	dma.local @!p0 [hbm:s6], $0xF7A  }
0x23: {  	s9 =	sor.u32 $0xD0000000, s2;
	s6 =	simm.s32 $0x108;
	_ =	swait.ge @!p0 [sflag:s8], $0x0  }
0x24: {  	s3 =	sadd.s32 $0x88, s3;
	s6 =	simm.s32 @!p1 $0x1082;
	[sflag:s4] =	ssyncset.s32 $0xFFFFF086  }
0x25: {  	[simem:s6], [sflag:s4] =	dma.local [hbm:s3], $0xF7A  }
0x26: {  	[smem:$0x3F97] =	sst s1;
	(tag) =	ssettag s2;
	_ =	strace s9  }
0x27: {  	s1 =	sld [smem:$0x3FA7]  }
0x28: {  	s2 =	sld [smem:$0x3FA8]  }
0x29: {  	s4 =	sld [smem:$0x3FAA]  }
0x2a: {  	p0 =	seq.s32 s5, $0x0;
	s5 =	sld [smem:$0x3FAB]  }
0x2b: {  	s6 =	sld [smem:$0x3FAC]  }
0x2c: {  	s7 =	sld [smem:$0x3FAD]  }
0x2d: {  	s3 =	simm.s32 $0x108;
	s8 =	sld [smem:$0x3FAE]  }
0x2e: {  	s3 =	simm.s32 @!p0 $0x1082;
	s9 =	sld [smem:$0x3FAF]  }
0x2f: {  	lr =	sadd.s32 s0, s3;
	s0 =	sld [smem:$0x3FA6]  }
0x30: {  	s3 =	sld [smem:$0x3FA9]  }
0x31: {  	[smem:$0x3FB2] =	sst s10  }
0x32: {  	s10 =	sld [smem:$0x3FB0];
	_ =	sdelay $0x3  }
0x33: {  	p0 =	seq.s32 s10, $0x1;
	s10 =	sld [smem:$0x3FB2];
	_ =	sdelay $0x3  }
0x34: {  	[smem:$0x3FB2] =	sst s10  }
0x35: {  	s10 =	sld [smem:$0x3FB1];
	_ =	sdelay $0x3  }
0x36: {  	p1 =	seq.s32 s10, $0x1;
	s10 =	sld [smem:$0x3FB2];
	_ =	sdelay $0x3  }
0x37: {  	[smem:$0x3FB2] =	sst s10  }
0x38: {  	s10 =	sld [smem:$0x3FB3]  }
0x39: {  	_ = 	snop;
	(pc) =	sbr.ind lr, $3  }
0x3a: {  	_ = 	snop  }
0x3b: {  	_ = 	snop  }
0x3c: {  	p2 =	seq.s32 s10, $0x1;
	s10 =	sld [smem:$0x3FB2]  }
0x3d: {  	_ =	shalt  }
0x3e: {  	_ =	shalt  }
0x3f: {  	_ =	shalt  }
0x40: {  	_ =	shalt  }
0x41: {  	_ =	shalt  }
0x42: {  	_ =	shalt  }
0x43: {  	_ =	shalt  }
0x44: {  	_ =	shalt  }
0x45: {  	_ =	shalt  }
0x46: {  	_ =	shalt  }
0x47: {  	_ =	shalt  }
0x48: {  	_ =	shalt  }
0x49: {  	_ =	shalt  }
0x4a: {  	_ =	shalt  }
0x4b: {  	_ =	shalt  }
0x4c: {  	_ =	shalt  }
0x4d: {  	_ =	shalt  }
0x4e: {  	_ =	shalt  }
0x4f: {  	_ =	shalt  }
0x50: {  	_ =	shalt  }
0x51: {  	_ =	shalt  }
0x52: {  	_ =	shalt  }
0x53: {  	_ =	shalt  }
0x54: {  	_ =	shalt  }
0x55: {  	_ =	shalt  }
0x56: {  	_ =	shalt  }
0x57: {  	_ =	shalt  }
0x58: {  	_ =	shalt  }
0x59: {  	_ =	shalt  }
0x5a: {  	_ =	shalt  }
0x5b: {  	_ =	shalt  }
0x5c: {  	_ =	shalt  }
0x5d: {  	_ =	shalt  }
0x5e: {  	_ =	shalt  }
0x5f: {  	_ =	shalt  }
0x60: {  	_ =	shalt  }
0x61: {  	_ =	shalt  }
0x62: {  	_ =	shalt  }
0x63: {  	_ =	shalt  }
0x64: {  	_ =	shalt  }
0x65: {  	_ =	shalt  }
0x66: {  	_ =	shalt  }
0x67: {  	_ =	shalt  }
0x68: {  	_ =	shalt  }
0x69: {  	_ =	shalt  }
0x6a: {  	_ =	shalt  }
0x6b: {  	_ =	shalt  }
0x6c: {  	_ =	shalt  }
0x6d: {  	_ =	shalt  }
0x6e: {  	_ =	shalt  }
0x6f: {  	_ =	shalt  }
0x70: {  	_ =	shalt  }
0x71: {  	_ =	shalt  }
0x72: {  	_ =	shalt  }
0x73: {  	_ =	shalt  }
0x74: {  	_ =	shalt  }
0x75: {  	_ =	shalt  }
0x76: {  	_ =	shalt  }
0x77: {  	_ =	shalt  }
0x78: {  	_ =	shalt  }
0x79: {  	_ =	shalt  }
0x7a: {  	_ =	shalt  }
0x7b: {  	_ =	shalt  }
0x7c: {  	_ =	shalt  }
0x7d: {  	_ =	shalt  }
0x7e: {  	_ =	shalt  }
0x7f: {  	_ =	shalt  }
0x80: {  	_ =	shalt  }
0x81: {  	_ =	shalt  }
0x82: {  	_ =	shalt  }
0x83: {  	_ =	shalt  }
0x84: {  	_ =	shalt  }
0x85: {  	_ =	shalt  }
0x86: {  	_ =	shalt  }
0x87: {  	_ =	shalt  }
.Lfunc_end0:
.L_simem_size_0:
called_computation_lowered:
.L_overlay_start_0:
0x88: {  	s2 =	sld [smem:$0x3FD9]  }
0x89: {  	s3 =	sld [smem:$0x3FFE];
	_ =	sdelay $0x1  }
0x8a: {  	s1 =	srdreg.scid  }
0x8b: {  	s0 =	sand.u32 $0x1, s1  }
0x8c: {  	s16 =	sshll.u32 s0, $0xA;
	s2 =	sadd.s32 s3, s2  }
0x8d: {  	s2 =	sadd.s32 s2, s16  }
0x8e: {  	[smem:$0x3FBE] =	sst s2  }
0x8f: {  	_ = 	snop  }
0x90: {  	(tm) =	ssettm $0x1  }
0x91: {  	s17 =	sld [smem:$0x3FFB];
	_ =	sdelay $0x3  }
0x92: {  	_ =	strace s17  }
0x93: {  	s2 =	sld [smem:$0x3FFC];
	_ =	sdelay $0x3  }
0x94: {  	_ =	strace s2  }
0x95: {  	s2 =	sld [smem:$0x3FFD];
	_ =	sdelay $0x3  }
0x96: {  	_ =	strace s2  }
0x97: {  	_ =	strace $0x8FFFFFFF  }
0x98: {  	s18 =	sld [smem:$0x3FDB];
	_ =	sdelay $0x1  }
0x99: {  	s19 =	simm.s32 $_scs_section_size  }
0x9a: {  	s4 =	simm.s32 $_size__tile_overlayer_lowered;
	s5 =	simm.s32 $_tile_overlayer_lowered  }
0x9b: {  	s22 =	simm.s32 $0x1BFF;
	s21 =	sshll.u32 s5, $0x1;
	s2 =	sadd.s32 s19, s18  }
0x9c: {  	s6 =	simm.s32 $0x0;
	s20 =	sshll.u32 s4, $0x1;
	s4 =	sadd.s32 s21, s2  }
0x9d: {  	[timem:s6], [sflag:s22] =	dma.local [hbm:s4], s20  }
0x9e: {  	_ =	swait.ge [sflag:s22], s20  }
0x9f: {  	s3 =	ssub.s32 $0x0, s20;
	[sflag:s22] =	ssyncset.done $0x0  }
0xa0: {  	[sflag:s22] =	ssyncadd.s32 s3;
	_ =	sdelay $0x1  }
0xa1: {  	s23 =	simm.s32 $0x1B8B  }
0xa2: {  	_ =	swait.ge [sflag:s23], $0x1  }
0xa3: {  	[sflag:s23] =	ssyncset.done $0x0  }
0xa4: {  	s25 =	simm.s32 $0x1B8E;
	s24 =	sld [smem:$0x3FFE];
	[sflag:s23] =	ssyncadd.s32 $0xFFFFFFFF  }
0xa5: {  	s26 =	simm.s32 $execute0_lowered;
	[smem:$0x3FD2] =	sst s25  }
0xa6: {  	s4 =	sshll.u32 s26, $0x1;
	_ =	strace $0x80000046;
	[dreg:$0x1] =	wrdreg $0xFFFFFFFF  }
0xa7: {  	s28 =	simm.s32 $_size_execute0_lowered;
	s2 =	sadd.s32 s2, s4;
	[dreg:$0x0] =	wrdreg $0x0  }
0xa8: {  	s4 =	sshll.u32 s28, $0x1;
	[dreg:$0x2] =	wrdreg s2  }
0xa9: {  	[dreg:$0x3] =	wrdreg s4  }
0xaa: {  	[dreg:$0x4] =	wrdreg $0xC0  }
0xab: {  	_ =	task [dreg:s6], $0x5FFFF  }
0xac: {  	[dreg:$0x1] =	wrdreg $0xFFFFFFFF  }
0xad: {  	[dreg:$0x0] =	wrdreg $0x60  }
0xae: {  	[dreg:$0x2] =	wrdreg s24  }
0xaf: {  	[dreg:$0x3] =	wrdreg $0x37100  }
0xb0: {  	[dreg:$0x4] =	wrdreg $0x9  }
0xb1: {  	_ =	task.clear_ibuf [dreg:s6], $0x5FFFF;
	_ =	strace $0x90000046  }
0xb2: {  	s29 =	simm.s32 $0x9;
	_ =	strace $0x80000048  }
0xb3: {  	_ =	swait.ge [sflag:s29], $0x1  }
0xb4: {  	[sflag:s29] =	ssyncadd.s32 $0xFFFFFFFF  }
0xb5: {  	_ =	strace $0x90000048  }
0xb6: {  	_ =	sfence  }
0xb7: {  	s30 =	sld [smem:$0x0];
	_ =	sdelay $0x2  }
0xb8: {  	s31 =	sshll.u32 s1, $0xD;
	s1 =	sshrl.u32 s1, $0x2  }
0xb9: {  	s3 =	sand.u32 $0x4000, s31;
	s1 =	sadd.s32 s1, s30  }
0xba: {  	s0 =	sor.u32 s3, s0;
	s1 =	sshll.u32 s1, $0x11  }
0xbb: {  	s0 =	sor.u32 s1, s0  }
0xbc: {  	s0 =	sadd.s32 $0x8F2B, s0  }
0xbd: {  	[sflag:s0] =	ssyncadd.remote.s32 $0x1  }
0xbe: {  	_ =	sfence.sel $0xFFFF  }
0xbf: {  	[dreg:$0x0] =	wrdreg $0xFFFFFFFF;
	(pc) =	sbr.abs _section_cstart, $3  }
0xc0: {  	[dreg:$0x1] =	wrdreg $0xFFFFFFFF  }
0xc1: {  	_ =	task.clear_ibuf [dreg:s6], $0x2FFFF;
	_ =	strace $0x9FFFFFFF  }
0xc2: {  	(tm) =	ssettm $0x7FFFFFFF  }
0xc3: {  	_ =	shalt  }
tec
execute0_lowered:
.L_overlay_start_1:
0x0: {  	(tag) =	ssettag $0x1  }
0x1: {  	s4 =	rddreg [dreg:$0x0]  }
0x2: {  	s2 =	rddreg [dreg:$0x1];
	s3 =	srdreg.scid  }
0x3: {  	s1 =	stileid.u32;
	s0 =	rddreg [dreg:$0x2];
	s12 =	simm.s32 $0x2F10  }
0x4: {  	s13 =	simm.s32 $0x3;
	s14 =	simm.s32 $0x1;
	s15 =	simm.s32 $0x80  }
0x5: {  	s16 =	simm.s32 $0x2710;
	s17 =	simm.s32 $0x2;
	s18 =	simm.s32 $0x10  }
0x6: {  	s19 =	simm.s32 $0x2700;
	s20 =	simm.s32 $0x0;
	s6 =	smul.u32 $0x2780, s1  }
0x7: {  	s5 =	sand.u32 $0x1, s3;
	s3 =	simm.s32 $0x0;
	s9 =	smul.u32 $0x9E00, s1  }
0x8: {  	s8 =	sshll.u32 s1, $0x1;
	s7 =	smul.u32 $0x27800, s5;
	[smem:$0x7FF] =	sst s3  }
0x9: {  	s8 =	sor.u32 s5, s8;
	s5 =	ssub.s32 $0x2, s5;
	_ =	strace $0x80000047  }
0xa: {  	s8 =	smul.u32 $0x2710, s8;
	s30 =	sshrl.u32 s5, $0x1;
	s31 =	sshrl.u32 s9, $0x2  }
0xb: {  	s7 =	sadd.s32 s6, s7;
	s11 =	ssub.s32 s5, s30;
	s5 =	sadd.s32 s6, s2  }
0xc: {  	s9 =	sadd.s32 s31, s2;
	s7 =	sshrl.u32 s7, $0x3;
	s8 =	sshrl.u32 s8, $0x3  }
0xd: {  	s6 =	sadd.s32 $0x800, s9;
	s11 =	smax.u32 s11, $0x1;
	s10 =	sadd.s32 s7, s4  }
0xe: {  	s4 =	sadd.s32 s4, s8;
	s7 =	sadd.s32 $0x1000, s9;
	s8 =	sadd.s32 $0x1800, s9  }
0xf: {  	v0 =	vimm.f32 $1.000000000e+00;
	v1 =	vimm.f32 $0.0e+00;
	s9 =	sadd.s32 $0x2000, s9;
	s4 =	sadd.s32 $0xBE40, s4;
	s10 =	sadd.s32 $0x15C00, s10  }
.LBB2_1:
0x10: {  	[tilespmem:s3], [sflag:$0x1] =	stream.linear.gather [hbm4b:s4+s3], $0x2710, $0x38;
	[tilespmem:$0x5E90] =	vst v63  }
0x11: {  	s21 =	simm.s32 $0x0  }
.LBB2_2:
0x12: {  	p0 =	sne.s32 s21, $0x1FC0  }
.Ltmp0:
0x13: {  	_ = 	snop;
	(pc) =	sbr.rel @p0 .LBB2_2-.Ltmp0, $3  }
0x14: {  	_ =	sdelay $0x1  }
0x15: {  	s22 =	sshra.s32 s21, $0x2  }
0x16: {  	s21 =	sadd.s32 $0x40, s21;
	[tilespmem:s22+$0x2710] =	vst v0  }
0x17: {  	s21 =	simm.s32 $0x40;
	s22 =	simm.s32 $0x0  }
.LBB2_4:
0x18: {  	p0 =	sne.s32 s21, $0x1FC0;
	[tilespmem:s22+$0x2F10] =	vst v1;
	s22 =	smov.u32 s21;
	s21 =	sadd.s32 $0x40, s21  }
.Ltmp1:
0x19: {  	(pc) =	sbr.rel @p0 .LBB2_4-.Ltmp1, $2  }
0x1a: {  	_ =	sdelay $0x2  }
0x1b: {  	s22 =	sshra.s32 s22, $0x2  }
0x1c: {  	[tilespmem:s22+$0x2F10] =	vst v1  }
0x1d: {  	[spmem:s5] =	stream.linear.scatter [tilespmem:s12], [sflag:$0x3], $0x800, $0x38;
	[tilespmem:$0x5E90] =	vst v63  }
0x1e: {  	_ =	swait.ge [sflag:s13], $0x800  }
0x1f: {  	[sflag:s13] =	ssyncset.done $0x0  }
0x20: {  	[sflag:s13] =	ssyncadd.s32 $0xFFFFF800  }
0x21: {  	[spmem:s6] =	stream.linear.scatter [tilespmem:s12], [sflag:$0x3], $0x800, $0x38;
	[tilespmem:$0x5E90] =	vst v63  }
0x22: {  	_ =	swait.ge [sflag:s13], $0x800  }
0x23: {  	[sflag:s13] =	ssyncset.done $0x0  }
0x24: {  	[sflag:s13] =	ssyncadd.s32 $0xFFFFF800  }
0x25: {  	[spmem:s7] =	stream.linear.scatter [tilespmem:s12], [sflag:$0x3], $0x800, $0x38;
	[tilespmem:$0x5E90] =	vst v63  }
0x26: {  	_ =	swait.ge [sflag:s13], $0x800  }
0x27: {  	[sflag:s13] =	ssyncset.done $0x0  }
0x28: {  	[sflag:s13] =	ssyncadd.s32 $0xFFFFF800  }
0x29: {  	[spmem:s8] =	stream.linear.scatter [tilespmem:s12], [sflag:$0x3], $0x800, $0x38;
	[tilespmem:$0x5E90] =	vst v63  }
0x2a: {  	_ =	swait.ge [sflag:s13], $0x800  }
0x2b: {  	[sflag:s13] =	ssyncset.done $0x0  }
0x2c: {  	[sflag:s13] =	ssyncadd.s32 $0xFFFFF800  }
0x2d: {  	[spmem:s9] =	stream.linear.scatter [tilespmem:s12], [sflag:$0x3], $0x780, $0x38;
	[tilespmem:$0x5E90] =	vst v63  }
0x2e: {  	_ =	swait.ge [sflag:s13], $0x780  }
0x2f: {  	[sflag:s13] =	ssyncset.done $0x0  }
0x30: {  	[sflag:s13] =	ssyncadd.s32 $0xFFFFF880  }
0x31: {  	_ =	swait.ge [sflag:s14], $0x2710  }
0x32: {  	[sflag:s14] =	ssyncset.done $0x0  }
0x33: {  	[sflag:s14] =	ssyncadd.s32 $0xFFFFD8F0  }
0x34: {  	[bflag:$0x0] =	sbarrier.arrive $0xFFFF  }
0x35: {  	[spmem:s2] =	stream.indirect.scatter.add.f32 [tilespmem:s16], [sflag:$0x1], $0x10, s3, s15, $0xb8;
	[tilespmem:$0x5E90] =	vst v63  }
0x36: {  	_ = 	snop  }
0x37: {  	[spmem:s2] =	stream.indirect.scatter.add.f32 [tilespmem:s16], [sflag:$0x2], $0x10, s15, s15, $0xb8;
	[tilespmem:$0x5E90] =	vst v63  }
0x38: {  	_ =	swait.ge [sflag:s14], $0x800  }
0x39: {  	[sflag:s14] =	ssyncset.done $0x0  }
0x3a: {  	s21 =	simm.s32 $0x100;
	[sflag:s14] =	ssyncadd.s32 $0xFFFFF800  }
0x3b: {  	[spmem:s2] =	stream.indirect.scatter.add.f32 [tilespmem:s16], [sflag:$0x1], $0x10, s21, s15, $0xb8;
	[tilespmem:$0x5E90] =	vst v63  }
0x3c: {  	_ =	swait.ge [sflag:s17], $0x800  }
0x3d: {  	[sflag:s17] =	ssyncset.done $0x0  }
0x3e: {  	s22 =	simm.s32 $0x180;
	s21 =	simm.s32 $0xFFFF6C00;
	[sflag:s17] =	ssyncadd.s32 $0xFFFFF800  }
.LBB2_6:
0x3f: {  	[spmem:s2] =	stream.indirect.scatter.add.f32 [tilespmem:s16], [sflag:$0x2], $0x10, s22, s15, $0xb8;
	[tilespmem:$0x5E90] =	vst v63  }
0x40: {  	s22 =	smov.u32 s21  }
0x41: {  	p0 =	sne.s32 s21, $0xFFFFFC00;
	s21 =	sadd.s32 $0x400, s21;
	_ =	swait.ge [sflag:s14], $0x800  }
0x42: {  	s22 =	sshra.s32 s22, $0x2;
	[sflag:s14] =	ssyncset.done $0x0  }
.Ltmp2:
0x43: {  	s23 =	sadd.s32 $0x2700, s22;
	[sflag:s14] =	ssyncadd.s32 $0xFFFFF800;
	(pc) =	sbr.rel @p0 .LBB2_6-.Ltmp2, $4  }
0x44: {  	[spmem:s2] =	stream.indirect.scatter.add.f32 [tilespmem:s16], [sflag:$0x1], $0x10, s23, s15, $0xb8;
	[tilespmem:$0x5E90] =	vst v63  }
0x45: {  	_ =	swait.ge [sflag:s17], $0x800  }
0x46: {  	[sflag:s17] =	ssyncset.done $0x0  }
0x47: {  	s22 =	sadd.s32 $0x2780, s22;
	[sflag:s17] =	ssyncadd.s32 $0xFFFFF800  }
0x48: {  	[spmem:s2] =	stream.indirect.scatter.add.f32 [tilespmem:s16], [sflag:$0x2], $0x10, s22, s15, $0xb8;
	[tilespmem:$0x5E90] =	vst v63  }
0x49: {  	_ =	swait.ge [sflag:s14], $0x800  }
0x4a: {  	[sflag:s14] =	ssyncset.done $0x0  }
0x4b: {  	[sflag:s14] =	ssyncadd.s32 $0xFFFFF800  }
0x4c: {  	_ =	swait.ge [sflag:s17], $0x800  }
0x4d: {  	[sflag:s17] =	ssyncset.done $0x0  }
0x4e: {  	[sflag:s17] =	ssyncadd.s32 $0xFFFFF800  }
0x4f: {  	[spmem:s2] =	stream.indirect.scatter.add.f32 [tilespmem:s16], [sflag:$0x3], $0x10, s19, s18, $0xb8;
	[tilespmem:$0x5E90] =	vst v63  }
0x50: {  	_ =	swait.ge [sflag:s13], $0x100  }
0x51: {  	s21 =	sshll.u32 s1, $0x6;
	s20 =	sadd.s32 $0x1, s20;
	[sflag:s13] =	ssyncset.done $0x0  }
0x52: {  	s31 =	sshrl.u32 s5, $0x3;
	p0 =	sne.s32 s20, s11;
	[sflag:s13] =	ssyncadd.s32 $0xFFFFFF00  }
.Ltmp3:
0x53: {  	s21 =	sor.u32 $0x1C03, s21;
	[bflag:$0x0] =	sbarrier.arrive $0xFFFF;
	(pc) =	sbr.rel @p0 .LBB2_1-.Ltmp3, $4  }
0x54: {  	[hbm:s10], [sflag:s21] =	dma.local [spmem:s31], $0x4F0  }
0x55: {  	_ =	swait.ge [sflag:s13], $0x4F0  }
0x56: {  	[sflag:s13] =	ssyncset.done $0x0  }
0x57: {  	[sflag:s13] =	ssyncadd.s32 $0xFFFFFB10  }
0x58: {  	_ =	sfence.sel $0x180000  }
0x59: {  	[bflag:$0x0] =	sbarrier.arrive $0xFFFF  }
0x5a: {  	p0 =	sne.s32 s1, $0x0;
	_ =	strace $0x90000047  }
0x5b: {  	s0 =	sadd.s32 @!p0 $0x100000, s0;
	[bflag:$0x2] =	sbarrier.arrive $0xFFFF  }
0x5c: {  	[sflag:s0] =	ssyncadd.tile.s32 @!p0 $0x1;
	_ =	shalt  }
.Lfunc_end2:
_tile_overlayer_lowered:
.L_overlay_start_2:
0x5d: {  	(tag) =	ssettag $0x2  }
0x5e: {  	s0 =	rddreg [dreg:$0x0];
	s2 =	stileid.u32  }
0x5f: {  	s1 =	rddreg [dreg:$0x1];
	p0 =	sne.s32 s2, $0x0  }
0x60: {  	s3 =	rddreg [dreg:$0x2];
	[bflag:$0x3] =	sbarrier.arrive $0xFFFF;
	s2 =	simm.s32 @!p0 $0x1C03  }
0x61: {  	[timem:s3], [sflag:s2] =	dma.local @!p0 [hbm:s0], s1  }
0x62: {  	s0 =	simm.s32 @!p0 $0x3  }
0x63: {  	_ =	swait.ge @!p0 [sflag:s0], s1  }
0x64: {  	s1 =	ssub.s32 @!p0 $0x0, s1;
	[sflag:s0] =	ssyncset.done @!p0 $0x0  }
0x65: {  	[sflag:s0] =	ssyncadd.s32 @!p0 s1  }
0x66: {  	[bflag:$0x3] =	sbarrier.arrive $0xFFFF  }
0x67: {  	_ =	shalt  }

// kernel: kernel.9.cloned.1.call-start
scs
__scs_entry_jumppad:
0x0: {  	(pc) =	sbr.rel $0x88, $3  }
0x1: {  	(tag) =	ssettag $0x0;
	lr =	simm.s32 $0x1  }
0x2: {  	[smem:$0x3F97] =	sst lr;
	_ =	strace $0xD0000000  }
0x3: {  	_ = 	snop  }
0x4: {  	_ = 	snop  }
0x5: {  	_ = 	snop  }
0x6: {  	_ = 	snop  }
0x7: {  	_ = 	snop  }
__scs_overlays_trampoline_lowered:
0x8: {  	[smem:$0x3FA6] =	sst s0  }
0x9: {  	[smem:$0x3FA7] =	sst s1  }
0xa: {  	[smem:$0x3FA8] =	sst s2  }
0xb: {  	[smem:$0x3FA9] =	sst s3  }
0xc: {  	[smem:$0x3FAA] =	sst s4  }
0xd: {  	[smem:$0x3FAB] =	sst s5  }
0xe: {  	[smem:$0x3FAC] =	sst s6  }
0xf: {  	[smem:$0x3FAD] =	sst s7  }
0x10: {  	[smem:$0x3FAE] =	sst s8  }
0x11: {  	[smem:$0x3FAF] =	sst s9;
	s0 =	simm.s32 @!p0 $0x0  }
0x12: {  	s1 =	sld [smem:$0x3F95];
	s0 =	simm.s32 @p0 $0x1  }
0x13: {  	[smem:$0x3FB0] =	sst s0;
	s0 =	simm.s32 @!p1 $0x0  }
0x14: {  	s2 =	sld [smem:$0x3F94];
	s0 =	simm.s32 @p1 $0x1  }
0x15: {  	[smem:$0x3FB1] =	sst s0;
	s0 =	simm.s32 @!p2 $0x0  }
0x16: {  	s3 =	sld [smem:$0x3FDB];
	s0 =	simm.s32 @p2 $0x1  }
0x17: {  	s4 =	simm.s32 $0x1BF5;
	[smem:$0x3FB3] =	sst s0  }
0x18: {  	s0 =	sld [smem:$0x3F96];
	_ =	swait.ge [sflag:s4], $0x0  }
0x19: {  	s7 =	sld [smem:$0x3F97]  }
0x1a: {  	s8 =	sadd.s32 $0xFFFFE003, lr  }
0x1b: {  	s9 =	sadd.s32 $0xFFFFFEF7, lr;
	s5 =	simm.s32 $0xFFFFFFFF;
	p2 =	slt.u32 s8, $0xFFFFF086  }
0x1c: {  	p1 =	slt.u32 s9, $0xF7A;
	s5 =	simm.s32 @!p2 $0x0  }
0x1d: {  	s5 =	simm.s32 @p1 $0x1;
	p0 =	seq.s32 s7, s2  }
0x1e: {  	s7 =	smul.u32 @!p0 $0xF7A, s2;
	p2 =	seq.s32 @!p0 s5, $0x0  }
0x1f: {  	s9 =	smul.u32 $0xF7A, s1;
	s8 =	simm.s32 @!p0 $0x1BF5;
	p2 =	por !p2, p0  }
0x20: {  	[sflag:s8] =	ssyncset.s32 @!p0 $0xFFFFF086;
	s6 =	sadd.s32 @!p0 s3, s7;
	s7 =	simm.s32 @!p0 $0x108  }
0x21: {  	s3 =	sadd.s32 s3, s9;
	s6 =	sadd.s32 @!p0 $0x88, s6;
	s7 =	simm.s32 @p2 $0x1082  }
0x22: {  	[simem:s7], [sflag:s8] =	dma.local @!p0 [hbm:s6], $0xF7A  }
0x23: {  	s9 =	sor.u32 $0xD0000000, s2;
	s6 =	simm.s32 $0x108;
	_ =	swait.ge @!p0 [sflag:s8], $0x0  }
0x24: {  	s3 =	sadd.s32 $0x88, s3;
	s6 =	simm.s32 @!p1 $0x1082;
	[sflag:s4] =	ssyncset.s32 $0xFFFFF086  }
0x25: {  	[simem:s6], [sflag:s4] =	dma.local [hbm:s3], $0xF7A  }
0x26: {  	[smem:$0x3F97] =	sst s1;
	(tag) =	ssettag s2;
	_ =	strace s9  }
0x27: {  	s1 =	sld [smem:$0x3FA7]  }
0x28: {  	s2 =	sld [smem:$0x3FA8]  }
0x29: {  	s4 =	sld [smem:$0x3FAA]  }
0x2a: {  	p0 =	seq.s32 s5, $0x0;
	s5 =	sld [smem:$0x3FAB]  }
0x2b: {  	s6 =	sld [smem:$0x3FAC]  }
0x2c: {  	s7 =	sld [smem:$0x3FAD]  }
0x2d: {  	s3 =	simm.s32 $0x108;
	s8 =	sld [smem:$0x3FAE]  }
0x2e: {  	s3 =	simm.s32 @!p0 $0x1082;
	s9 =	sld [smem:$0x3FAF]  }
0x2f: {  	lr =	sadd.s32 s0, s3;
	s0 =	sld [smem:$0x3FA6]  }
0x30: {  	s3 =	sld [smem:$0x3FA9]  }
0x31: {  	[smem:$0x3FB2] =	sst s10  }
0x32: {  	s10 =	sld [smem:$0x3FB0];
	_ =	sdelay $0x3  }
0x33: {  	p0 =	seq.s32 s10, $0x1;
	s10 =	sld [smem:$0x3FB2];
	_ =	sdelay $0x3  }
0x34: {  	[smem:$0x3FB2] =	sst s10  }
0x35: {  	s10 =	sld [smem:$0x3FB1];
	_ =	sdelay $0x3  }
0x36: {  	p1 =	seq.s32 s10, $0x1;
	s10 =	sld [smem:$0x3FB2];
	_ =	sdelay $0x3  }
0x37: {  	[smem:$0x3FB2] =	sst s10  }
0x38: {  	s10 =	sld [smem:$0x3FB3]  }
0x39: {  	_ = 	snop;
	(pc) =	sbr.ind lr, $3  }
0x3a: {  	_ = 	snop  }
0x3b: {  	_ = 	snop  }
0x3c: {  	p2 =	seq.s32 s10, $0x1;
	s10 =	sld [smem:$0x3FB2]  }
0x3d: {  	_ =	shalt  }
0x3e: {  	_ =	shalt  }
0x3f: {  	_ =	shalt  }
0x40: {  	_ =	shalt  }
0x41: {  	_ =	shalt  }
0x42: {  	_ =	shalt  }
0x43: {  	_ =	shalt  }
0x44: {  	_ =	shalt  }
0x45: {  	_ =	shalt  }
0x46: {  	_ =	shalt  }
0x47: {  	_ =	shalt  }
0x48: {  	_ =	shalt  }
0x49: {  	_ =	shalt  }
0x4a: {  	_ =	shalt  }
0x4b: {  	_ =	shalt  }
0x4c: {  	_ =	shalt  }
0x4d: {  	_ =	shalt  }
0x4e: {  	_ =	shalt  }
0x4f: {  	_ =	shalt  }
0x50: {  	_ =	shalt  }
0x51: {  	_ =	shalt  }
0x52: {  	_ =	shalt  }
0x53: {  	_ =	shalt  }
0x54: {  	_ =	shalt  }
0x55: {  	_ =	shalt  }
0x56: {  	_ =	shalt  }
0x57: {  	_ =	shalt  }
0x58: {  	_ =	shalt  }
0x59: {  	_ =	shalt  }
0x5a: {  	_ =	shalt  }
0x5b: {  	_ =	shalt  }
0x5c: {  	_ =	shalt  }
0x5d: {  	_ =	shalt  }
0x5e: {  	_ =	shalt  }
0x5f: {  	_ =	shalt  }
0x60: {  	_ =	shalt  }
0x61: {  	_ =	shalt  }
0x62: {  	_ =	shalt  }
0x63: {  	_ =	shalt  }
0x64: {  	_ =	shalt  }
0x65: {  	_ =	shalt  }
0x66: {  	_ =	shalt  }
0x67: {  	_ =	shalt  }
0x68: {  	_ =	shalt  }
0x69: {  	_ =	shalt  }
0x6a: {  	_ =	shalt  }
0x6b: {  	_ =	shalt  }
0x6c: {  	_ =	shalt  }
0x6d: {  	_ =	shalt  }
0x6e: {  	_ =	shalt  }
0x6f: {  	_ =	shalt  }
0x70: {  	_ =	shalt  }
0x71: {  	_ =	shalt  }
0x72: {  	_ =	shalt  }
0x73: {  	_ =	shalt  }
0x74: {  	_ =	shalt  }
0x75: {  	_ =	shalt  }
0x76: {  	_ =	shalt  }
0x77: {  	_ =	shalt  }
0x78: {  	_ =	shalt  }
0x79: {  	_ =	shalt  }
0x7a: {  	_ =	shalt  }
0x7b: {  	_ =	shalt  }
0x7c: {  	_ =	shalt  }
0x7d: {  	_ =	shalt  }
0x7e: {  	_ =	shalt  }
0x7f: {  	_ =	shalt  }
0x80: {  	_ =	shalt  }
0x81: {  	_ =	shalt  }
0x82: {  	_ =	shalt  }
0x83: {  	_ =	shalt  }
0x84: {  	_ =	shalt  }
0x85: {  	_ =	shalt  }
0x86: {  	_ =	shalt  }
0x87: {  	_ =	shalt  }
.Lfunc_end0:
.L_simem_size_0:
called_computation.1_lowered:
.L_overlay_start_0:
0x88: {  	s2 =	sld [smem:$0x3FD9]  }
0x89: {  	s3 =	sld [smem:$0x3FFE];
	_ =	sdelay $0x1  }
0x8a: {  	s1 =	srdreg.scid  }
0x8b: {  	s0 =	sand.u32 $0x1, s1  }
0x8c: {  	s16 =	sshll.u32 s0, $0xA;
	s2 =	sadd.s32 s3, s2  }
0x8d: {  	s2 =	sadd.s32 s2, s16  }
0x8e: {  	[smem:$0x3FBE] =	sst s2  }
0x8f: {  	_ = 	snop  }
0x90: {  	(tm) =	ssettm $0x1  }
0x91: {  	s17 =	sld [smem:$0x3FFB];
	_ =	sdelay $0x3  }
0x92: {  	_ =	strace s17  }
0x93: {  	s2 =	sld [smem:$0x3FFC];
	_ =	sdelay $0x3  }
0x94: {  	_ =	strace s2  }
0x95: {  	s2 =	sld [smem:$0x3FFD];
	_ =	sdelay $0x3  }
0x96: {  	_ =	strace s2  }
0x97: {  	_ =	strace $0x8FFFFFFF  }
0x98: {  	s18 =	sld [smem:$0x3FDB];
	_ =	sdelay $0x1  }
0x99: {  	s19 =	simm.s32 $_scs_section_size  }
0x9a: {  	s4 =	simm.s32 $_size__tile_overlayer_lowered;
	s5 =	simm.s32 $_tile_overlayer_lowered  }
0x9b: {  	s22 =	simm.s32 $0x1BFF;
	s21 =	sshll.u32 s5, $0x1;
	s2 =	sadd.s32 s19, s18  }
0x9c: {  	s6 =	simm.s32 $0x0;
	s20 =	sshll.u32 s4, $0x1;
	s4 =	sadd.s32 s21, s2  }
0x9d: {  	[timem:s6], [sflag:s22] =	dma.local [hbm:s4], s20  }
0x9e: {  	_ =	swait.ge [sflag:s22], s20  }
0x9f: {  	s3 =	ssub.s32 $0x0, s20;
	[sflag:s22] =	ssyncset.done $0x0  }
0xa0: {  	[sflag:s22] =	ssyncadd.s32 s3;
	_ =	sdelay $0x1  }
0xa1: {  	s23 =	simm.s32 $0x1B8B  }
0xa2: {  	_ =	swait.ge [sflag:s23], $0x1  }
0xa3: {  	[sflag:s23] =	ssyncset.done $0x0  }
0xa4: {  	s25 =	simm.s32 $0x1B8E;
	s24 =	sld [smem:$0x3FFE];
	[sflag:s23] =	ssyncadd.s32 $0xFFFFFFFF  }
0xa5: {  	s26 =	simm.s32 $execute0_lowered;
	[smem:$0x3FD2] =	sst s25  }
0xa6: {  	s4 =	sshll.u32 s26, $0x1;
	_ =	strace $0x80000049;
	[dreg:$0x1] =	wrdreg $0xFFFFFFFF  }
0xa7: {  	s28 =	simm.s32 $_size_execute0_lowered;
	s2 =	sadd.s32 s2, s4;
	[dreg:$0x0] =	wrdreg $0x0  }
0xa8: {  	s4 =	sshll.u32 s28, $0x1;
	[dreg:$0x2] =	wrdreg s2  }
0xa9: {  	[dreg:$0x3] =	wrdreg s4  }
0xaa: {  	[dreg:$0x4] =	wrdreg $0xC0  }
0xab: {  	_ =	task [dreg:s6], $0x5FFFF  }
0xac: {  	[dreg:$0x1] =	wrdreg $0xFFFFFFFF  }
0xad: {  	[dreg:$0x0] =	wrdreg $0x60  }
0xae: {  	[dreg:$0x2] =	wrdreg s24  }
0xaf: {  	[dreg:$0x3] =	wrdreg $0xCE200  }
0xb0: {  	[dreg:$0x4] =	wrdreg $0x9  }
0xb1: {  	_ =	task.clear_ibuf [dreg:s6], $0x5FFFF;
	_ =	strace $0x90000049  }
0xb2: {  	s29 =	simm.s32 $0x9;
	_ =	strace $0x8000004B  }
0xb3: {  	_ =	swait.ge [sflag:s29], $0x1  }
0xb4: {  	[sflag:s29] =	ssyncadd.s32 $0xFFFFFFFF  }
0xb5: {  	_ =	strace $0x9000004B  }
0xb6: {  	_ =	sfence  }
0xb7: {  	s30 =	sld [smem:$0x0];
	_ =	sdelay $0x2  }
0xb8: {  	s31 =	sshll.u32 s1, $0xD;
	s1 =	sshrl.u32 s1, $0x2  }
0xb9: {  	s3 =	sand.u32 $0x4000, s31;
	s1 =	sadd.s32 s1, s30  }
0xba: {  	s0 =	sor.u32 s3, s0;
	s1 =	sshll.u32 s1, $0x11  }
0xbb: {  	s0 =	sor.u32 s1, s0  }
0xbc: {  	s0 =	sadd.s32 $0x8F2B, s0  }
0xbd: {  	[sflag:s0] =	ssyncadd.remote.s32 $0x1  }
0xbe: {  	_ =	sfence.sel $0xFFFF  }
0xbf: {  	[dreg:$0x0] =	wrdreg $0xFFFFFFFF;
	(pc) =	sbr.abs _section_cstart, $3  }
0xc0: {  	[dreg:$0x1] =	wrdreg $0xFFFFFFFF  }
0xc1: {  	_ =	task.clear_ibuf [dreg:s6], $0x2FFFF;
	_ =	strace $0x9FFFFFFF  }
0xc2: {  	(tm) =	ssettm $0x7FFFFFFF  }
0xc3: {  	_ =	shalt  }
tec
execute0_lowered:
.L_overlay_start_1:
0x0: {  	(tag) =	ssettag $0x1  }
0x1: {  	s0 =	srdreg.scid  }
0x2: {  	s8 =	stileid.u32;
	s5 =	rddreg [dreg:$0x0]  }
0x3: {  	s2 =	rddreg [dreg:$0x1];
	s3 =	simm.s32 $0x0;
	s15 =	simm.s32 $0xAE20  }
0x4: {  	s16 =	simm.s32 $0x4;
	s17 =	simm.s32 $0x1;
	s18 =	simm.s32 $0x2  }
0x5: {  	s19 =	simm.s32 $0x80;
	s20 =	simm.s32 $0x4E20;
	s21 =	simm.s32 $0x6E20  }
0x6: {  	s22 =	simm.s32 $0x8E20;
	s23 =	simm.s32 $0x3;
	s24 =	simm.s32 $0x2680  }
0x7: {  	s29 =	simm.s32 $0x10;
	s30 =	simm.s32 $0x2700;
	s31 =	simm.s32 $0x4E10  }
0x8: {  	s0 =	sand.u32 $0x1, s0;
	s1 =	sshll.u32 s8, $0x1;
	s7 =	smul.u32 $0x9E00, s8  }
0x9: {  	[smem:$0x7FF] =	sst s3;
	s4 =	sadd.s32 $0x15C00, s5;
	s8 =	smul.u32 $0x27800, s8  }
0xa: {  	s1 =	sor.u32 s0, s1;
	s6 =	smul.u32 $0x9E000, s0;
	s0 =	ssub.s32 $0x2, s0  }
0xb: {  	_ =	strace $0x8000004A;
	s1 =	smul.u32 $0x2710, s1;
	s26 =	sshrl.u32 s0, $0x1  }
0xc: {  	s8 =	sshrl.u32 s8, $0x2;
	s6 =	sadd.s32 s7, s6;
	s0 =	ssub.s32 s0, s26  }
0xd: {  	s7 =	sadd.s32 s7, s2;
	s28 =	sadd.s32 s8, s2;
	s1 =	sshrl.u32 s1, $0x3  }
0xe: {  	s6 =	sshrl.u32 s6, $0x3;
	s8 =	sadd.s32 $0x2000, s28;
	s9 =	sadd.s32 $0x4000, s28  }
0xf: {  	s10 =	sadd.s32 $0x6000, s28;
	s11 =	sadd.s32 $0x8000, s28;
	s1 =	sadd.s32 s1, s5  }
0x10: {  	s13 =	smax.u32 s0, $0x1;
	s12 =	sadd.s32 s6, s5;
	s5 =	sadd.s32 $0x2200, s1  }
0x11: {  	v0 =	vimm.f32 $0.0e+00;
	s6 =	sadd.s32 $0xBE40, s1;
	s12 =	sadd.s32 $0x29600, s12;
	s1 =	simm.s32 $0x0  }
.LBB2_1:
0x12: {  	[tilespmem:s3], [sflag:$0x1] =	stream.linear.gather [hbm4b:s5+s3], $0x2710, $0x38;
	[tilespmem:$0x16C20] =	vst v63  }
0x13: {  	s0 =	simm.s32 $0x2710  }
0x14: {  	[tilespmem:s0], [sflag:$0x2] =	stream.linear.gather [hbm4b:s6+s3], $0x2710, $0x38;
	[tilespmem:$0x16C20] =	vst v63  }
0x15: {  	s14 =	simm.s32 $0x100;
	s0 =	simm.s32 $0x0  }
.LBB2_2:
0x16: {  	p0 =	sne.s32 s14, $0x7F00;
	[tilespmem:s0+$0xAE50] =	vst v0;
	s25 =	smov.u32 s14;
	s14 =	sadd.s32 $0x100, s14  }
.Ltmp0:
0x17: {  	[tilespmem:s0+$0xAE40] =	vst v0;
	(pc) =	sbr.rel @p0 .LBB2_2-.Ltmp0, $3  }
0x18: {  	[tilespmem:s0+$0xAE20] =	vst v0  }
0x19: {  	[tilespmem:s0+$0xAE30] =	vst v0;
	_ =	sdelay $0x1  }
0x1a: {  	s0 =	sshra.s32 s25, $0x2  }
0x1b: {  	[tilespmem:s0+$0xAE50] =	vst v0  }
0x1c: {  	[tilespmem:s0+$0xAE40] =	vst v0  }
0x1d: {  	[tilespmem:s0+$0xAE20] =	vst v0  }
0x1e: {  	[tilespmem:s0+$0xAE30] =	vst v0  }
0x1f: {  	[spmem:s7] =	stream.linear.scatter [tilespmem:s15], [sflag:$0x4], $0x2000, $0x38;
	[tilespmem:$0x16C20] =	vst v63  }
0x20: {  	_ =	swait.ge [sflag:s16], $0x2000  }
0x21: {  	[sflag:s16] =	ssyncset.done $0x0  }
0x22: {  	[sflag:s16] =	ssyncadd.s32 $0xFFFFE000  }
0x23: {  	[spmem:s8] =	stream.linear.scatter [tilespmem:s15], [sflag:$0x4], $0x2000, $0x38;
	[tilespmem:$0x16C20] =	vst v63  }
0x24: {  	_ =	swait.ge [sflag:s16], $0x2000  }
0x25: {  	[sflag:s16] =	ssyncset.done $0x0  }
0x26: {  	[sflag:s16] =	ssyncadd.s32 $0xFFFFE000  }
0x27: {  	[spmem:s9] =	stream.linear.scatter [tilespmem:s15], [sflag:$0x4], $0x2000, $0x38;
	[tilespmem:$0x16C20] =	vst v63  }
0x28: {  	_ =	swait.ge [sflag:s16], $0x2000  }
0x29: {  	[sflag:s16] =	ssyncset.done $0x0  }
0x2a: {  	[sflag:s16] =	ssyncadd.s32 $0xFFFFE000  }
0x2b: {  	[spmem:s10] =	stream.linear.scatter [tilespmem:s15], [sflag:$0x4], $0x2000, $0x38;
	[tilespmem:$0x16C20] =	vst v63  }
0x2c: {  	_ =	swait.ge [sflag:s16], $0x2000  }
0x2d: {  	[sflag:s16] =	ssyncset.done $0x0  }
0x2e: {  	[sflag:s16] =	ssyncadd.s32 $0xFFFFE000  }
0x2f: {  	[spmem:s11] =	stream.linear.scatter [tilespmem:s15], [sflag:$0x4], $0x1E00, $0x38;
	[tilespmem:$0x16C20] =	vst v63  }
0x30: {  	_ =	swait.ge [sflag:s16], $0x1E00  }
0x31: {  	[sflag:s16] =	ssyncset.done $0x0  }
0x32: {  	[sflag:s16] =	ssyncadd.s32 $0xFFFFE200  }
0x33: {  	_ =	swait.ge [sflag:s17], $0x2710  }
0x34: {  	[sflag:s17] =	ssyncset.done $0x0  }
0x35: {  	[sflag:s17] =	ssyncadd.s32 $0xFFFFD8F0  }
0x36: {  	_ =	swait.ge [sflag:s18], $0x2710  }
0x37: {  	[sflag:s18] =	ssyncset.done $0x0  }
0x38: {  	[sflag:s18] =	ssyncadd.s32 $0xFFFFD8F0  }
0x39: {  	s25 =	simm.s32 $0x0;
	[bflag:$0x0] =	sbarrier.arrive $0xFFFF  }
0x3a: {  	[tilespmem:s20], [sflag:$0x1] =	stream.indirect.gather [hbm4b:s4+s19], $0x40, s25, s19, $0xb8;
	[tilespmem:$0x16C20] =	vst v63  }
0x3b: {  	_ = 	snop  }
0x3c: {  	[tilespmem:s21], [sflag:$0x2] =	stream.indirect.gather [hbm4b:s4+s19], $0x40, s19, s19, $0xb8;
	[tilespmem:$0x16C20] =	vst v63  }
0x3d: {  	s26 =	simm.s32 $0x100  }
0x3e: {  	[tilespmem:s22], [sflag:$0x3] =	stream.indirect.gather [hbm4b:s4+s19], $0x40, s26, s19, $0xb8;
	[tilespmem:$0x16C20] =	vst v63  }
0x3f: {  	_ =	swait.ge [sflag:s17], $0x2000  }
0x40: {  	[sflag:s17] =	ssyncset.done $0x0  }
0x41: {  	s28 =	simm.s32 $0x2710;
	[sflag:s17] =	ssyncadd.s32 $0xFFFFE000  }
0x42: {  	[spmem:s2] =	stream.indirect.scatter.add.f32 [tilespmem:s20], [sflag:$0x4], $0x40, s28, s19, $0xb8;
	[tilespmem:$0x16C20] =	vst v63  }
0x43: {  	_ =	swait.ge [sflag:s16], $0x2000  }
0x44: {  	[sflag:s16] =	ssyncset.done $0x0  }
0x45: {  	s14 =	simm.s32 $0x180;
	[sflag:s16] =	ssyncadd.s32 $0xFFFFE000  }
0x46: {  	[tilespmem:s20], [sflag:$0x1] =	stream.indirect.gather [hbm4b:s4+s19], $0x40, s14, s19, $0xb8;
	[tilespmem:$0x16C20] =	vst v63  }
0x47: {  	_ =	swait.ge [sflag:s18], $0x2000  }
0x48: {  	[sflag:s18] =	ssyncset.done $0x0  }
0x49: {  	s25 =	simm.s32 $0x2790;
	[sflag:s18] =	ssyncadd.s32 $0xFFFFE000  }
0x4a: {  	[spmem:s2] =	stream.indirect.scatter.add.f32 [tilespmem:s21], [sflag:$0x4], $0x40, s25, s19, $0xb8;
	[tilespmem:$0x16C20] =	vst v63  }
0x4b: {  	_ =	swait.ge [sflag:s16], $0x2000  }
0x4c: {  	[sflag:s16] =	ssyncset.done $0x0  }
0x4d: {  	s26 =	simm.s32 $0x200;
	[sflag:s16] =	ssyncadd.s32 $0xFFFFE000  }
0x4e: {  	[tilespmem:s21], [sflag:$0x2] =	stream.indirect.gather [hbm4b:s4+s19], $0x40, s26, s19, $0xb8;
	[tilespmem:$0x16C20] =	vst v63  }
0x4f: {  	_ =	swait.ge [sflag:s23], $0x2000  }
0x50: {  	[sflag:s23] =	ssyncset.done $0x0  }
0x51: {  	s28 =	simm.s32 $0x2810;
	[sflag:s23] =	ssyncadd.s32 $0xFFFFE000  }
0x52: {  	[spmem:s2] =	stream.indirect.scatter.add.f32 [tilespmem:s22], [sflag:$0x4], $0x40, s28, s19, $0xb8;
	[tilespmem:$0x16C20] =	vst v63  }
0x53: {  	_ =	swait.ge [sflag:s16], $0x2000  }
0x54: {  	s0 =	simm.s32 $0x180;
	s14 =	simm.s32 $0xC00;
	[sflag:s16] =	ssyncset.done $0x0  }
.LBB2_4:
0x55: {  	s25 =	sadd.s32 $0x100, s0  }
0x56: {  	[sflag:s16] =	ssyncadd.s32 $0xFFFFE000;
	s26 =	smov.u32 s14;
	s28 =	sadd.s32 $0x600, s14  }
0x57: {  	[tilespmem:s22], [sflag:$0x3] =	stream.indirect.gather [hbm4b:s4+s19], $0x40, s25, s19, $0xb8;
	[tilespmem:$0x16C20] =	vst v63  }
0x58: {  	p0 =	sne.s32 s14, $0x9000;
	_ =	swait.ge [sflag:s17], $0x2000  }
0x59: {  	[sflag:s17] =	ssyncset.done $0x0  }
0x5a: {  	s14 =	sadd.s32 $0x2710, s0;
	[sflag:s17] =	ssyncadd.s32 $0xFFFFE000  }
0x5b: {  	[spmem:s2] =	stream.indirect.scatter.add.f32 [tilespmem:s20], [sflag:$0x4], $0x40, s14, s19, $0xb8;
	[tilespmem:$0x16C20] =	vst v63  }
0x5c: {  	_ =	swait.ge [sflag:s16], $0x2000  }
0x5d: {  	[sflag:s16] =	ssyncset.done $0x0  }
0x5e: {  	s14 =	sadd.s32 $0x180, s0;
	[sflag:s16] =	ssyncadd.s32 $0xFFFFE000  }
0x5f: {  	[tilespmem:s20], [sflag:$0x1] =	stream.indirect.gather [hbm4b:s4+s19], $0x40, s14, s19, $0xb8;
	[tilespmem:$0x16C20] =	vst v63  }
0x60: {  	_ =	swait.ge [sflag:s18], $0x2000  }
0x61: {  	[sflag:s18] =	ssyncset.done $0x0  }
0x62: {  	s14 =	sadd.s32 $0x2790, s0;
	[sflag:s18] =	ssyncadd.s32 $0xFFFFE000  }
0x63: {  	[spmem:s2] =	stream.indirect.scatter.add.f32 [tilespmem:s21], [sflag:$0x4], $0x40, s14, s19, $0xb8;
	[tilespmem:$0x16C20] =	vst v63  }
0x64: {  	_ =	swait.ge [sflag:s16], $0x2000  }
0x65: {  	[sflag:s16] =	ssyncset.done $0x0  }
0x66: {  	s14 =	sadd.s32 $0x200, s0;
	[sflag:s16] =	ssyncadd.s32 $0xFFFFE000  }
0x67: {  	[tilespmem:s21], [sflag:$0x2] =	stream.indirect.gather [hbm4b:s4+s19], $0x40, s14, s19, $0xb8;
	[tilespmem:$0x16C20] =	vst v63  }
0x68: {  	_ =	swait.ge [sflag:s23], $0x2000  }
.Ltmp1:
0x69: {  	[sflag:s23] =	ssyncset.done $0x0;
	(pc) =	sbr.rel @p0 .LBB2_4-.Ltmp1, $4  }
0x6a: {  	s0 =	sadd.s32 $0x2810, s0;
	[sflag:s23] =	ssyncadd.s32 $0xFFFFE000  }
0x6b: {  	[spmem:s2] =	stream.indirect.scatter.add.f32 [tilespmem:s22], [sflag:$0x4], $0x40, s0, s19, $0xb8;
	[tilespmem:$0x16C20] =	vst v63  }
0x6c: {  	_ =	swait.ge [sflag:s16], $0x2000  }
0x6d: {  	s14 =	smov.u32 s28;
	s0 =	sshra.s32 s26, $0x2;
	[sflag:s16] =	ssyncset.done $0x0  }
0x6e: {  	s14 =	sadd.s32 $0x100, s0;
	[sflag:s16] =	ssyncadd.s32 $0xFFFFE000  }
0x6f: {  	[tilespmem:s22], [sflag:$0x3] =	stream.indirect.gather [hbm4b:s4+s19], $0x40, s14, s19, $0xb8;
	[tilespmem:$0x16C20] =	vst v63  }
0x70: {  	_ =	swait.ge [sflag:s17], $0x2000  }
0x71: {  	[sflag:s17] =	ssyncset.done $0x0  }
0x72: {  	s25 =	sadd.s32 $0x2710, s0;
	[sflag:s17] =	ssyncadd.s32 $0xFFFFE000  }
0x73: {  	[spmem:s2] =	stream.indirect.scatter.add.f32 [tilespmem:s20], [sflag:$0x4], $0x40, s25, s19, $0xb8;
	[tilespmem:$0x16C20] =	vst v63  }
0x74: {  	_ =	swait.ge [sflag:s16], $0x2000  }
0x75: {  	[sflag:s16] =	ssyncset.done $0x0  }
0x76: {  	s26 =	sadd.s32 $0x180, s0;
	[sflag:s16] =	ssyncadd.s32 $0xFFFFE000  }
0x77: {  	[tilespmem:s20], [sflag:$0x1] =	stream.indirect.gather [hbm4b:s4+s19], $0x40, s26, s19, $0xb8;
	[tilespmem:$0x16C20] =	vst v63  }
0x78: {  	_ =	swait.ge [sflag:s18], $0x2000  }
0x79: {  	[sflag:s18] =	ssyncset.done $0x0  }
0x7a: {  	s28 =	sadd.s32 $0x2790, s0;
	[sflag:s18] =	ssyncadd.s32 $0xFFFFE000  }
0x7b: {  	[spmem:s2] =	stream.indirect.scatter.add.f32 [tilespmem:s21], [sflag:$0x4], $0x40, s28, s19, $0xb8;
	[tilespmem:$0x16C20] =	vst v63  }
0x7c: {  	_ =	swait.ge [sflag:s16], $0x2000  }
0x7d: {  	[sflag:s16] =	ssyncset.done $0x0  }
0x7e: {  	s25 =	sadd.s32 $0x200, s0;
	[sflag:s16] =	ssyncadd.s32 $0xFFFFE000  }
0x7f: {  	[tilespmem:s21], [sflag:$0x2] =	stream.indirect.gather [hbm4b:s4+s19], $0x40, s25, s19, $0xb8;
	[tilespmem:$0x16C20] =	vst v63  }
0x80: {  	_ =	swait.ge [sflag:s23], $0x2000  }
0x81: {  	[sflag:s23] =	ssyncset.done $0x0  }
0x82: {  	s26 =	sadd.s32 $0x2810, s0;
	[sflag:s23] =	ssyncadd.s32 $0xFFFFE000  }
0x83: {  	[spmem:s2] =	stream.indirect.scatter.add.f32 [tilespmem:s22], [sflag:$0x4], $0x40, s26, s19, $0xb8;
	[tilespmem:$0x16C20] =	vst v63  }
0x84: {  	_ =	swait.ge [sflag:s16], $0x2000  }
0x85: {  	[sflag:s16] =	ssyncset.done $0x0  }
0x86: {  	[sflag:s16] =	ssyncadd.s32 $0xFFFFE000  }
0x87: {  	[tilespmem:s22], [sflag:$0x3] =	stream.indirect.gather [hbm4b:s4+s19], $0x40, s24, s19, $0xb8;
	[tilespmem:$0x16C20] =	vst v63  }
0x88: {  	_ =	swait.ge [sflag:s17], $0x2000  }
0x89: {  	[sflag:s17] =	ssyncset.done $0x0  }
0x8a: {  	s28 =	simm.s32 $0x4C90;
	[sflag:s17] =	ssyncadd.s32 $0xFFFFE000  }
0x8b: {  	[spmem:s2] =	stream.indirect.scatter.add.f32 [tilespmem:s20], [sflag:$0x4], $0x40, s28, s19, $0xb8;
	[tilespmem:$0x16C20] =	vst v63  }
0x8c: {  	_ =	swait.ge [sflag:s16], $0x2000  }
0x8d: {  	[sflag:s16] =	ssyncset.done $0x0  }
0x8e: {  	[sflag:s16] =	ssyncadd.s32 $0xFFFFE000  }
0x8f: {  	[tilespmem:s20], [sflag:$0x1] =	stream.indirect.gather [hbm4b:s4+s19], $0x40, s24, s19, $0xb8;
	[tilespmem:$0x16C20] =	vst v63  }
0x90: {  	_ =	swait.ge [sflag:s18], $0x2000  }
0x91: {  	[sflag:s18] =	ssyncset.done $0x0  }
0x92: {  	s14 =	simm.s32 $0x4D10;
	[sflag:s18] =	ssyncadd.s32 $0xFFFFE000  }
0x93: {  	[spmem:s2] =	stream.indirect.scatter.add.f32 [tilespmem:s21], [sflag:$0x4], $0x40, s14, s19, $0xb8;
	[tilespmem:$0x16C20] =	vst v63  }
0x94: {  	_ =	swait.ge [sflag:s16], $0x2000  }
0x95: {  	[sflag:s16] =	ssyncset.done $0x0  }
0x96: {  	[sflag:s16] =	ssyncadd.s32 $0xFFFFE000  }
0x97: {  	[tilespmem:s21], [sflag:$0x2] =	stream.indirect.gather [hbm4b:s4+s19], $0x40, s24, s19, $0xb8;
	[tilespmem:$0x16C20] =	vst v63  }
0x98: {  	_ =	swait.ge [sflag:s23], $0x2000  }
0x99: {  	[sflag:s23] =	ssyncset.done $0x0  }
0x9a: {  	s25 =	simm.s32 $0x4D90;
	[sflag:s23] =	ssyncadd.s32 $0xFFFFE000  }
0x9b: {  	[spmem:s2] =	stream.indirect.scatter.add.f32 [tilespmem:s22], [sflag:$0x4], $0x40, s25, s19, $0xb8;
	[tilespmem:$0x16C20] =	vst v63  }
0x9c: {  	_ =	swait.ge [sflag:s16], $0x2000  }
0x9d: {  	[sflag:s16] =	ssyncset.done $0x0  }
0x9e: {  	[sflag:s16] =	ssyncadd.s32 $0xFFFFE000  }
0x9f: {  	_ =	swait.ge [sflag:s18], $0x2000  }
0xa0: {  	[sflag:s18] =	ssyncset.done $0x0  }
0xa1: {  	[sflag:s18] =	ssyncadd.s32 $0xFFFFE000  }
0xa2: {  	_ =	swait.ge [sflag:s17], $0x2000  }
0xa3: {  	[sflag:s17] =	ssyncset.done $0x0  }
0xa4: {  	[sflag:s17] =	ssyncadd.s32 $0xFFFFE000  }
0xa5: {  	[tilespmem:s20], [sflag:$0x1] =	stream.indirect.gather [hbm4b:s4+s29], $0x40, s30, s29, $0xb8;
	[tilespmem:$0x16C20] =	vst v63  }
0xa6: {  	_ =	swait.ge [sflag:s17], $0x400  }
0xa7: {  	[sflag:s17] =	ssyncset.done $0x0  }
0xa8: {  	[sflag:s17] =	ssyncadd.s32 $0xFFFFFC00  }
0xa9: {  	[spmem:s2] =	stream.indirect.scatter.add.f32 [tilespmem:s20], [sflag:$0x4], $0x40, s31, s29, $0xb8;
	[tilespmem:$0x16C20] =	vst v63  }
0xaa: {  	s26 =	stileid.u32;
	_ =	swait.ge [sflag:s16], $0x400  }
0xab: {  	s1 =	sadd.s32 $0x1, s1;
	s0 =	sshll.u32 s26, $0x6;
	[sflag:s16] =	ssyncset.done $0x0  }
0xac: {  	p0 =	sne.s32 s1, s13;
	s0 =	sor.u32 $0x1C04, s0;
	[sflag:s16] =	ssyncadd.s32 $0xFFFFFC00  }
.Ltmp2:
0xad: {  	s28 =	sshrl.u32 s7, $0x3;
	[bflag:$0x0] =	sbarrier.arrive $0xFFFF;
	(pc) =	sbr.rel @p0 .LBB2_1-.Ltmp2, $4  }
0xae: {  	[hbm:s12], [sflag:s0] =	dma.local [spmem:s28], $0x13C0  }
0xaf: {  	_ =	swait.ge [sflag:s16], $0x13C0  }
0xb0: {  	[sflag:s16] =	ssyncset.done $0x0  }
0xb1: {  	[sflag:s16] =	ssyncadd.s32 $0xFFFFEC40  }
0xb2: {  	_ =	sfence.sel $0x180000  }
0xb3: {  	[bflag:$0x0] =	sbarrier.arrive $0xFFFF  }
0xb4: {  	_ =	strace $0x9000004A  }
0xb5: {  	s0 =	stileid.u32;
	[bflag:$0x2] =	sbarrier.arrive $0xFFFF  }
0xb6: {  	p0 =	sne.s32 s0, $0x0;
	s0 =	rddreg [dreg:$0x2]  }
0xb7: {  	s0 =	sadd.s32 @!p0 $0x100000, s0  }
0xb8: {  	[sflag:s0] =	ssyncadd.tile.s32 @!p0 $0x1;
	_ =	shalt  }
.Lfunc_end2:
_tile_overlayer_lowered:
.L_overlay_start_2:
0xb9: {  	(tag) =	ssettag $0x2  }
0xba: {  	s0 =	rddreg [dreg:$0x0];
	s2 =	stileid.u32  }
0xbb: {  	s1 =	rddreg [dreg:$0x1];
	p0 =	sne.s32 s2, $0x0  }
0xbc: {  	s3 =	rddreg [dreg:$0x2];
	[bflag:$0x3] =	sbarrier.arrive $0xFFFF;
	s2 =	simm.s32 @!p0 $0x1C04  }
0xbd: {  	[timem:s3], [sflag:s2] =	dma.local @!p0 [hbm:s0], s1  }
0xbe: {  	s0 =	simm.s32 @!p0 $0x4  }
0xbf: {  	_ =	swait.ge @!p0 [sflag:s0], s1  }
0xc0: {  	s1 =	ssub.s32 @!p0 $0x0, s1;
	[sflag:s0] =	ssyncset.done @!p0 $0x0  }
0xc1: {  	[sflag:s0] =	ssyncadd.s32 @!p0 s1  }
0xc2: {  	[bflag:$0x3] =	sbarrier.arrive $0xFFFF  }
0xc3: {  	_ =	shalt  }

</sc_bundles>
